<compile_context>
chip_gen: v7x
topology: tpu7x:2x2x1
jax: 0.10.2.dev20260603
libtpu: 0.0.44.dev20260713+nightly
codegen_flags: <defaults>
</compile_context>

<pallas_src>
import functools

import jax
import jax.numpy as jnp
from jax import lax
from jax.experimental import pallas as pl
from jax.experimental.pallas import tpu as pltpu
from jax.experimental.pallas import tpu_sc as plsc

E = 16
D_STATE = 768
D_ACTION = 64
HIDDEN = 256
N_TOKENS = 16384
BLK = 256
NB = N_TOKENS // BLK + E
P = NB * BLK
D_ACT_PAD = 128
D_XP = 512


def _routing_metadata(policy_indices):
    pol = policy_indices.astype(jnp.int32)
    eids = jnp.arange(E, dtype=jnp.int32)
    onehot = (pol[:, None] == eids[None, :]).astype(jnp.int32)
    cum = jnp.cumsum(onehot, axis=0)
    counts = cum[-1]
    padded = ((counts + BLK - 1) // BLK) * BLK
    pad_off = (jnp.cumsum(padded) - padded).astype(jnp.int32)
    within = jnp.sum(onehot * cum, axis=1) - 1
    ppos = (jnp.sum(onehot * pad_off[None, :], axis=1) + within).astype(jnp.int32)
    bstart = jnp.arange(NB, dtype=jnp.int32)[:, None] * BLK
    block_expert = jnp.clip(
        jnp.sum((pad_off[None, :] <= bstart).astype(jnp.int32), axis=1) - 1,
        0, E - 1).astype(jnp.int32)
    return ppos, block_expert


NC = 2
NS = 16
NW = NC * NS


CBLK = 512


def _round_pack(a, b):
    ua = lax.bitcast_convert_type(a, jnp.uint32)
    ub = lax.bitcast_convert_type(b, jnp.uint32)
    hi = (ua + jnp.uint32(0x8000)) & jnp.uint32(0xFFFF0000)
    lo = (ub + jnp.uint32(0x8000)) >> jnp.uint32(16)
    return lax.bitcast_convert_type(hi | lo, jnp.float32)


def _concat_body(lat_ref, act_ref, x_ref):
    i = pl.program_id(0)
    lat = lat_ref[...]
    a = lat[:, :D_XP]
    act = act_ref[pl.ds(i * CBLK, CBLK), :]
    z = jnp.zeros((CBLK, D_XP - (D_STATE - D_XP) - D_ACTION), jnp.float32)
    b = jnp.concatenate([lat[:, D_XP:], act, z], axis=1)
    x_ref[...] = _round_pack(a, b)


def _concat_inputs(latents, actions):
    return pl.pallas_call(
        _concat_body,
        grid=(N_TOKENS // CBLK,),
        in_specs=[
            pl.BlockSpec((CBLK, D_STATE), lambda i: (i, 0)),
            pl.BlockSpec((N_TOKENS, D_ACTION), lambda i: (0, 0)),
        ],
        out_specs=pl.BlockSpec((CBLK, D_XP), lambda i: (i, 0)),
        out_shape=jax.ShapeDtypeStruct((N_TOKENS, D_XP), jnp.float32),
    )(latents, actions)


_CH = 128


def _scatter_body(idx_hbm, tab_hbm, out_hbm, idx_v, row_v, sem):
    wid = lax.axis_index("s") * NC + lax.axis_index("c")
    rows = N_TOKENS // NW
    base = wid * rows
    for c in range(rows // _CH):
        b = base + c * _CH
        pltpu.sync_copy(idx_hbm.at[pl.ds(b, _CH)], idx_v)
        pltpu.sync_copy(tab_hbm.at[pl.ds(b, _CH)], row_v)
        pltpu.async_copy(row_v, out_hbm.at[idx_v], sem).wait()


def _scatter_rows(idx, table, out_rows, width, dtype):
    fn = pl.kernel(
        _scatter_body,
        out_type=jax.ShapeDtypeStruct((out_rows, width), dtype),
        mesh=plsc.VectorSubcoreMesh(core_axis_name="c", subcore_axis_name="s"),
        scratch_types=[
            pltpu.VMEM((_CH,), jnp.int32),
            pltpu.VMEM((_CH, width), dtype),
            pltpu.SemaphoreType.DMA,
        ],
    )
    return fn(idx, table)


def _gather_body(idx_hbm, tab_hbm, out_hbm, idx_v, row_v, sem):
    wid = lax.axis_index("s") * NC + lax.axis_index("c")
    rows = N_TOKENS // NW
    base = wid * rows
    for c in range(rows // _CH):
        b = base + c * _CH
        pltpu.sync_copy(idx_hbm.at[pl.ds(b, _CH)], idx_v)
        pltpu.async_copy(tab_hbm.at[idx_v], row_v, sem).wait()
        pltpu.sync_copy(row_v, out_hbm.at[pl.ds(b, _CH)])


def _gather_rows(idx, table, width, dtype):
    fn = pl.kernel(
        _gather_body,
        out_type=jax.ShapeDtypeStruct((N_TOKENS, width), dtype),
        mesh=plsc.VectorSubcoreMesh(core_axis_name="c", subcore_axis_name="s"),
        scratch_types=[
            pltpu.VMEM((_CH,), jnp.int32),
            pltpu.VMEM((_CH, width), dtype),
            pltpu.SemaphoreType.DMA,
        ],
    )
    return fn(idx, table)


def _mlp_body(be_ref, x_ref, w1_ref, b1_ref, w2_ref, b2_ref, out_ref,
              w1b_ref, w1ab_ref, w2b_ref):
    i = pl.program_id(0)
    e = be_ref[i]

    @pl.when(i == 0)
    def _cast_weights():
        w1b_ref[...] = w1_ref[:, :D_STATE, :].astype(jnp.bfloat16)
        w1ab_ref[...] = jnp.concatenate(
            [w1_ref[:, D_STATE:, :],
             jnp.zeros((E, D_ACT_PAD - D_ACTION, HIDDEN), jnp.float32)],
            axis=1).astype(jnp.bfloat16)
        w2b_ref[...] = w2_ref[...].astype(jnp.bfloat16)

    u = lax.bitcast_convert_type(x_ref[...], jnp.uint32)
    a = lax.bitcast_convert_type(u & jnp.uint32(0xFFFF0000), jnp.float32
                                 ).astype(jnp.bfloat16)
    b = lax.bitcast_convert_type(u << jnp.uint32(16), jnp.float32
                                 ).astype(jnp.bfloat16)
    h = jnp.dot(a, w1b_ref[e, :D_XP, :], preferred_element_type=jnp.float32)
    h = h + jnp.dot(b[:, :D_STATE - D_XP], w1b_ref[e, D_XP:, :],
                    preferred_element_type=jnp.float32)
    h = h + jnp.dot(b[:, D_STATE - D_XP:D_STATE - D_XP + D_ACT_PAD], w1ab_ref[e],
                    preferred_element_type=jnp.float32)
    h = jnp.maximum(h + b1_ref[e, 0], 0.0).astype(jnp.bfloat16)
    out_ref[...] = jnp.dot(h, w2b_ref[e], preferred_element_type=jnp.float32) + b2_ref[e, 0]


def _grouped_mlp(block_expert, x_s, W1, b1, W2, b2, interpret=False):
    grid_spec = pltpu.PrefetchScalarGridSpec(
        num_scalar_prefetch=1,
        grid=(NB,),
        in_specs=[
            pl.BlockSpec((BLK, D_XP), lambda i, be: (i, 0)),
            pl.BlockSpec((E, D_STATE + D_ACTION, HIDDEN), lambda i, be: (0, 0, 0)),
            pl.BlockSpec((E, 1, HIDDEN), lambda i, be: (0, 0, 0)),
            pl.BlockSpec((E, HIDDEN, D_STATE), lambda i, be: (0, 0, 0)),
            pl.BlockSpec((E, 1, D_STATE), lambda i, be: (0, 0, 0)),
        ],
        out_specs=pl.BlockSpec((BLK, D_STATE), lambda i, be: (i, 0)),
        scratch_shapes=[
            pltpu.VMEM((E, D_STATE, HIDDEN), jnp.bfloat16),
            pltpu.VMEM((E, D_ACT_PAD, HIDDEN), jnp.bfloat16),
            pltpu.VMEM((E, HIDDEN, D_STATE), jnp.bfloat16),
        ],
    )
    return pl.pallas_call(
        _mlp_body,
        grid_spec=grid_spec,
        out_shape=jax.ShapeDtypeStruct((P, D_STATE), jnp.float32),
        compiler_params=pltpu.CompilerParams(
            dimension_semantics=("arbitrary",),
        ),
        interpret=interpret,
    )(block_expert, x_s, W1, b1, W2, b2)


def kernel(latents, policy_indices, actions, W1, b1, W2, b2):
    ppos, block_expert = _routing_metadata(policy_indices)
    xcat = _concat_inputs(latents, actions)
    x_s = _scatter_rows(ppos, xcat, P, D_XP, jnp.float32)
    out_s = _grouped_mlp(block_expert, x_s, W1,
                         b1.reshape(E, 1, HIDDEN), W2,
                         b2.reshape(E, 1, D_STATE))
    return _gather_rows(ppos, out_s, D_STATE, jnp.float32)

# --- scband reference (transcript-rebuilt; emitter-appended) ---
"""Pipeline reference for scband-dynamics-15599321219162 (READ-ONLY COPY).

The authoritative reference and input builder live on the scoring server;
editing this copy changes nothing except your own understanding.
"""

import jax, jax.numpy as jnp
import numpy as np

E = 16
D_STATE = 768
D_ACTION = 64
HIDDEN = 256
N_TOKENS = 16384


def setup_inputs(seed: int = 0) -> dict:
    key = jax.random.key(seed)
    ks = jax.random.split(key, 6)
    latents = jax.random.normal(ks[0], (N_TOKENS, D_STATE), dtype=jnp.float32)
    actions = jax.random.normal(ks[1], (N_TOKENS, D_ACTION), dtype=jnp.float32)
    policy_indices = jax.random.randint(ks[2], (N_TOKENS,), 0, E)
    W1 = jax.random.normal(ks[3], (E, D_STATE + D_ACTION, HIDDEN), dtype=jnp.float32) * 0.02
    b1 = jnp.zeros((E, HIDDEN), dtype=jnp.float32)
    W2 = jax.random.normal(ks[4], (E, HIDDEN, D_STATE), dtype=jnp.float32) * 0.02
    b2 = jnp.zeros((E, D_STATE), dtype=jnp.float32)
    return {
        "latents": latents,
        "policy_indices": policy_indices,
        "actions": actions,
        "W1": W1,
        "b1": b1,
        "W2": W2,
        "b2": b2,
    }


def reference(latents, policy_indices, actions, W1, b1, W2, b2):
    # Faithful translation of Dynamics.forward with tensor policy_indices:
    # next_latents initialized to NaN; each per-policy dynamics model fills in
    # the rows whose policy index matches. Each per-policy model is an MLP:
    # next = relu(cat(s, a) @ W1_i + b1_i) @ W2_i + b2_i.
    x = jnp.concatenate([latents, actions], axis=-1)
    next_latents = jnp.full_like(latents, jnp.nan)
    num_experts = W1.shape[0]
    for i in range(num_experts):
        h = jax.nn.relu(x @ W1[i] + b1[i])
        out = h @ W2[i] + b2[i]
        mask = (policy_indices == i)[:, None]
        next_latents = jnp.where(mask, out, next_latents)
    return next_latents

if __name__ == "__main__":
    import jax
    _d = setup_inputs()
    print(jax.jit(kernel)(*tuple(_d.values())))

</pallas_src>

<mosaic_0001>
#map = affine_map<(d0, d1) -> (0)>
#map1 = affine_map<(d0, d1) -> (0, 0)>
module attributes {stable_mosaic.version = 14 : i64} {
  func.func @_gather_body(%arg0: i32, %arg1: i32, %arg2: memref<16384xi32, #tpu.memory_space<hbm>>, %arg3: memref<20480x768xf32, #tpu.memory_space<hbm>>, %arg4: memref<16384x768xf32, #tpu.memory_space<hbm>>, %arg5: memref<128xi32, #tpu.memory_space<vmem>>, %arg6: memref<128x768xf32, #tpu.memory_space<vmem>>, %arg7: memref<!tpu.dma_semaphore, #tpu.memory_space<semaphore_mem>>) attributes {dimension_semantics = [#tpu.dimension_semantics<core_parallel>, #tpu.dimension_semantics<subcore_parallel>], iteration_bounds = array<i64: 2, 16>, scalar_prefetch = 0 : i64, scratch_operands = 3 : i64, tpu.core_type = #tpu.core_type<sc_vector_subcore>, window_params = [{transform_indices = #map}, {transform_indices = #map1}, {transform_indices = #map1}]} {
    %mul3A = arith.constant 2 : i32
    %mul3A_0 = arith.muli %arg1, %mul3A : i32
    %add3A = arith.addi %mul3A_0, %arg0 : i32
    %mul3A_1 = arith.constant 512 : i32
    %mul3A_2 = arith.muli %add3A, %mul3A_1 : i32
    %add3A_3 = arith.constant 0 : i32
    %add3A_4 = arith.addi %mul3A_2, %add3A_3 : i32
    "tpu.region"() ({
      %run_scoped3A = tpu.sem_alloc : memref<!tpu.dma_semaphore, #tpu.memory_space<semaphore_mem>>
      %dma_start3A_33 = tpu.memref_slice %arg2[%add3A_4] : memref<16384xi32, #tpu.memory_space<hbm>> -> memref<128xi32, #tpu.memory_space<hbm>>
      %dma_start3A_34 = tpu.memref_slice %arg2[%add3A_4] : memref<16384xi32, #tpu.memory_space<hbm>> -> memref<128xi32, #tpu.memory_space<hbm>>
      tpu.enqueue_dma source(%dma_start3A_34 : memref<128xi32, #tpu.memory_space<hbm>>) target(%arg5 : memref<128xi32, #tpu.memory_space<vmem>>) target_semaphore(%run_scoped3A : memref<!tpu.dma_semaphore, #tpu.memory_space<semaphore_mem>>)
      %dma_wait3A_35 = tpu.memref_slice %arg2[%add3A_4] : memref<16384xi32, #tpu.memory_space<hbm>> -> memref<128xi32, #tpu.memory_space<hbm>>
      %dma_wait3A_36 = tpu.memref_slice %arg2[%add3A_4] : memref<16384xi32, #tpu.memory_space<hbm>> -> memref<128xi32, #tpu.memory_space<hbm>>
      tpu.wait_dma2 semaphore(%run_scoped3A : memref<!tpu.dma_semaphore, #tpu.memory_space<semaphore_mem>>) src(%dma_wait3A_36 : memref<128xi32, #tpu.memory_space<hbm>>) dst(%arg5 : memref<128xi32, #tpu.memory_space<vmem>>)
      tpu.yield
    }) : () -> ()
    %dma_start3A = arith.constant 0 : i32
    %dma_start3A_5 = arith.constant 0 : i32
    %dma_start3A_6 = tpu.memref_slice %arg3[%dma_start3A, %dma_start3A_5] : memref<20480x768xf32, #tpu.memory_space<hbm>> -> memref<20480x768xf32, #tpu.memory_space<hbm>>
    tpu.enqueue_indirect_dma source(%dma_start3A_6 : memref<20480x768xf32, #tpu.memory_space<hbm>>) target(%arg6 : memref<128x768xf32, #tpu.memory_space<vmem>>) offsets(%arg5 : memref<128xi32, #tpu.memory_space<vmem>>) semaphore(%arg7 : memref<!tpu.dma_semaphore, #tpu.memory_space<semaphore_mem>>)
    %dma_wait3A = arith.constant 0 : i32
    %dma_wait3A_7 = arith.constant 0 : i32
    %dma_wait3A_8 = tpu.memref_slice %arg3[%dma_wait3A, %dma_wait3A_7] : memref<20480x768xf32, #tpu.memory_space<hbm>> -> memref<20480x768xf32, #tpu.memory_space<hbm>>
    tpu.wait_indirect_dma semaphore(%arg7 : memref<!tpu.dma_semaphore, #tpu.memory_space<semaphore_mem>>) src(%dma_wait3A_8 : memref<20480x768xf32, #tpu.memory_space<hbm>>) dst(%arg6 : memref<128x768xf32, #tpu.memory_space<vmem>>)
    "tpu.region"() ({
      %run_scoped3A = tpu.sem_alloc : memref<!tpu.dma_semaphore, #tpu.memory_space<semaphore_mem>>
      %dma_start3A_33 = arith.constant 0 : i32
      %dma_start3A_34 = tpu.memref_slice %arg4[%add3A_4, %dma_start3A_33] : memref<16384x768xf32, #tpu.memory_space<hbm>> -> memref<128x768xf32, #tpu.memory_space<hbm>>
      %dma_start3A_35 = arith.constant 0 : i32
      %dma_start3A_36 = tpu.memref_slice %arg4[%add3A_4, %dma_start3A_35] : memref<16384x768xf32, #tpu.memory_space<hbm>> -> memref<128x768xf32, #tpu.memory_space<hbm>>
      tpu.enqueue_dma source(%arg6 : memref<128x768xf32, #tpu.memory_space<vmem>>) target(%dma_start3A_36 : memref<128x768xf32, #tpu.memory_space<hbm>>) target_semaphore(%run_scoped3A : memref<!tpu.dma_semaphore, #tpu.memory_space<semaphore_mem>>)
      %dma_wait3A_37 = arith.constant 0 : i32
      %dma_wait3A_38 = tpu.memref_slice %arg4[%add3A_4, %dma_wait3A_37] : memref<16384x768xf32, #tpu.memory_space<hbm>> -> memref<128x768xf32, #tpu.memory_space<hbm>>
      %dma_wait3A_39 = arith.constant 0 : i32
      %dma_wait3A_40 = tpu.memref_slice %arg4[%add3A_4, %dma_wait3A_39] : memref<16384x768xf32, #tpu.memory_space<hbm>> -> memref<128x768xf32, #tpu.memory_space<hbm>>
      tpu.wait_dma2 semaphore(%run_scoped3A : memref<!tpu.dma_semaphore, #tpu.memory_space<semaphore_mem>>) src(%arg6 : memref<128x768xf32, #tpu.memory_space<vmem>>) dst(%dma_wait3A_40 : memref<128x768xf32, #tpu.memory_space<hbm>>)
      tpu.yield
    }) : () -> ()
    %add3A_9 = arith.constant 128 : i32
    %add3A_10 = arith.addi %mul3A_2, %add3A_9 : i32
    "tpu.region"() ({
      %run_scoped3A = tpu.sem_alloc : memref<!tpu.dma_semaphore, #tpu.memory_space<semaphore_mem>>
      %dma_start3A_33 = tpu.memref_slice %arg2[%add3A_10] : memref<16384xi32, #tpu.memory_space<hbm>> -> memref<128xi32, #tpu.memory_space<hbm>>
      %dma_start3A_34 = tpu.memref_slice %arg2[%add3A_10] : memref<16384xi32, #tpu.memory_space<hbm>> -> memref<128xi32, #tpu.memory_space<hbm>>
      tpu.enqueue_dma source(%dma_start3A_34 : memref<128xi32, #tpu.memory_space<hbm>>) target(%arg5 : memref<128xi32, #tpu.memory_space<vmem>>) target_semaphore(%run_scoped3A : memref<!tpu.dma_semaphore, #tpu.memory_space<semaphore_mem>>)
      %dma_wait3A_35 = tpu.memref_slice %arg2[%add3A_10] : memref<16384xi32, #tpu.memory_space<hbm>> -> memref<128xi32, #tpu.memory_space<hbm>>
      %dma_wait3A_36 = tpu.memref_slice %arg2[%add3A_10] : memref<16384xi32, #tpu.memory_space<hbm>> -> memref<128xi32, #tpu.memory_space<hbm>>
      tpu.wait_dma2 semaphore(%run_scoped3A : memref<!tpu.dma_semaphore, #tpu.memory_space<semaphore_mem>>) src(%dma_wait3A_36 : memref<128xi32, #tpu.memory_space<hbm>>) dst(%arg5 : memref<128xi32, #tpu.memory_space<vmem>>)
      tpu.yield
    }) : () -> ()
    %dma_start3A_11 = arith.constant 0 : i32
    %dma_start3A_12 = arith.constant 0 : i32
    %dma_start3A_13 = tpu.memref_slice %arg3[%dma_start3A_11, %dma_start3A_12] : memref<20480x768xf32, #tpu.memory_space<hbm>> -> memref<20480x768xf32, #tpu.memory_space<hbm>>
    tpu.enqueue_indirect_dma source(%dma_start3A_13 : memref<20480x768xf32, #tpu.memory_space<hbm>>) target(%arg6 : memref<128x768xf32, #tpu.memory_space<vmem>>) offsets(%arg5 : memref<128xi32, #tpu.memory_space<vmem>>) semaphore(%arg7 : memref<!tpu.dma_semaphore, #tpu.memory_space<semaphore_mem>>)
    %dma_wait3A_14 = arith.constant 0 : i32
    %dma_wait3A_15 = arith.constant 0 : i32
    %dma_wait3A_16 = tpu.memref_slice %arg3[%dma_wait3A_14, %dma_wait3A_15] : memref<20480x768xf32, #tpu.memory_space<hbm>> -> memref<20480x768xf32, #tpu.memory_space<hbm>>
    tpu.wait_indirect_dma semaphore(%arg7 : memref<!tpu.dma_semaphore, #tpu.memory_space<semaphore_mem>>) src(%dma_wait3A_16 : memref<20480x768xf32, #tpu.memory_space<hbm>>) dst(%arg6 : memref<128x768xf32, #tpu.memory_space<vmem>>)
    "tpu.region"() ({
      %run_scoped3A = tpu.sem_alloc : memref<!tpu.dma_semaphore, #tpu.memory_space<semaphore_mem>>
      %dma_start3A_33 = arith.constant 0 : i32
      %dma_start3A_34 = tpu.memref_slice %arg4[%add3A_10, %dma_start3A_33] : memref<16384x768xf32, #tpu.memory_space<hbm>> -> memref<128x768xf32, #tpu.memory_space<hbm>>
      %dma_start3A_35 = arith.constant 0 : i32
      %dma_start3A_36 = tpu.memref_slice %arg4[%add3A_10, %dma_start3A_35] : memref<16384x768xf32, #tpu.memory_space<hbm>> -> memref<128x768xf32, #tpu.memory_space<hbm>>
      tpu.enqueue_dma source(%arg6 : memref<128x768xf32, #tpu.memory_space<vmem>>) target(%dma_start3A_36 : memref<128x768xf32, #tpu.memory_space<hbm>>) target_semaphore(%run_scoped3A : memref<!tpu.dma_semaphore, #tpu.memory_space<semaphore_mem>>)
      %dma_wait3A_37 = arith.constant 0 : i32
      %dma_wait3A_38 = tpu.memref_slice %arg4[%add3A_10, %dma_wait3A_37] : memref<16384x768xf32, #tpu.memory_space<hbm>> -> memref<128x768xf32, #tpu.memory_space<hbm>>
      %dma_wait3A_39 = arith.constant 0 : i32
      %dma_wait3A_40 = tpu.memref_slice %arg4[%add3A_10, %dma_wait3A_39] : memref<16384x768xf32, #tpu.memory_space<hbm>> -> memref<128x768xf32, #tpu.memory_space<hbm>>
      tpu.wait_dma2 semaphore(%run_scoped3A : memref<!tpu.dma_semaphore, #tpu.memory_space<semaphore_mem>>) src(%arg6 : memref<128x768xf32, #tpu.memory_space<vmem>>) dst(%dma_wait3A_40 : memref<128x768xf32, #tpu.memory_space<hbm>>)
      tpu.yield
    }) : () -> ()
    %add3A_17 = arith.constant 256 : i32
    %add3A_18 = arith.addi %mul3A_2, %add3A_17 : i32
    "tpu.region"() ({
      %run_scoped3A = tpu.sem_alloc : memref<!tpu.dma_semaphore, #tpu.memory_space<semaphore_mem>>
      %dma_start3A_33 = tpu.memref_slice %arg2[%add3A_18] : memref<16384xi32, #tpu.memory_space<hbm>> -> memref<128xi32, #tpu.memory_space<hbm>>
      %dma_start3A_34 = tpu.memref_slice %arg2[%add3A_18] : memref<16384xi32, #tpu.memory_space<hbm>> -> memref<128xi32, #tpu.memory_space<hbm>>
      tpu.enqueue_dma source(%dma_start3A_34 : memref<128xi32, #tpu.memory_space<hbm>>) target(%arg5 : memref<128xi32, #tpu.memory_space<vmem>>) target_semaphore(%run_scoped3A : memref<!tpu.dma_semaphore, #tpu.memory_space<semaphore_mem>>)
      %dma_wait3A_35 = tpu.memref_slice %arg2[%add3A_18] : memref<16384xi32, #tpu.memory_space<hbm>> -> memref<128xi32, #tpu.memory_space<hbm>>
      %dma_wait3A_36 = tpu.memref_slice %arg2[%add3A_18] : memref<16384xi32, #tpu.memory_space<hbm>> -> memref<128xi32, #tpu.memory_space<hbm>>
      tpu.wait_dma2 semaphore(%run_scoped3A : memref<!tpu.dma_semaphore, #tpu.memory_space<semaphore_mem>>) src(%dma_wait3A_36 : memref<128xi32, #tpu.memory_space<hbm>>) dst(%arg5 : memref<128xi32, #tpu.memory_space<vmem>>)
      tpu.yield
    }) : () -> ()
    %dma_start3A_19 = arith.constant 0 : i32
    %dma_start3A_20 = arith.constant 0 : i32
    %dma_start3A_21 = tpu.memref_slice %arg3[%dma_start3A_19, %dma_start3A_20] : memref<20480x768xf32, #tpu.memory_space<hbm>> -> memref<20480x768xf32, #tpu.memory_space<hbm>>
    tpu.enqueue_indirect_dma source(%dma_start3A_21 : memref<20480x768xf32, #tpu.memory_space<hbm>>) target(%arg6 : memref<128x768xf32, #tpu.memory_space<vmem>>) offsets(%arg5 : memref<128xi32, #tpu.memory_space<vmem>>) semaphore(%arg7 : memref<!tpu.dma_semaphore, #tpu.memory_space<semaphore_mem>>)
    %dma_wait3A_22 = arith.constant 0 : i32
    %dma_wait3A_23 = arith.constant 0 : i32
    %dma_wait3A_24 = tpu.memref_slice %arg3[%dma_wait3A_22, %dma_wait3A_23] : memref<20480x768xf32, #tpu.memory_space<hbm>> -> memref<20480x768xf32, #tpu.memory_space<hbm>>
    tpu.wait_indirect_dma semaphore(%arg7 : memref<!tpu.dma_semaphore, #tpu.memory_space<semaphore_mem>>) src(%dma_wait3A_24 : memref<20480x768xf32, #tpu.memory_space<hbm>>) dst(%arg6 : memref<128x768xf32, #tpu.memory_space<vmem>>)
    "tpu.region"() ({
      %run_scoped3A = tpu.sem_alloc : memref<!tpu.dma_semaphore, #tpu.memory_space<semaphore_mem>>
      %dma_start3A_33 = arith.constant 0 : i32
      %dma_start3A_34 = tpu.memref_slice %arg4[%add3A_18, %dma_start3A_33] : memref<16384x768xf32, #tpu.memory_space<hbm>> -> memref<128x768xf32, #tpu.memory_space<hbm>>
      %dma_start3A_35 = arith.constant 0 : i32
      %dma_start3A_36 = tpu.memref_slice %arg4[%add3A_18, %dma_start3A_35] : memref<16384x768xf32, #tpu.memory_space<hbm>> -> memref<128x768xf32, #tpu.memory_space<hbm>>
      tpu.enqueue_dma source(%arg6 : memref<128x768xf32, #tpu.memory_space<vmem>>) target(%dma_start3A_36 : memref<128x768xf32, #tpu.memory_space<hbm>>) target_semaphore(%run_scoped3A : memref<!tpu.dma_semaphore, #tpu.memory_space<semaphore_mem>>)
      %dma_wait3A_37 = arith.constant 0 : i32
      %dma_wait3A_38 = tpu.memref_slice %arg4[%add3A_18, %dma_wait3A_37] : memref<16384x768xf32, #tpu.memory_space<hbm>> -> memref<128x768xf32, #tpu.memory_space<hbm>>
      %dma_wait3A_39 = arith.constant 0 : i32
      %dma_wait3A_40 = tpu.memref_slice %arg4[%add3A_18, %dma_wait3A_39] : memref<16384x768xf32, #tpu.memory_space<hbm>> -> memref<128x768xf32, #tpu.memory_space<hbm>>
      tpu.wait_dma2 semaphore(%run_scoped3A : memref<!tpu.dma_semaphore, #tpu.memory_space<semaphore_mem>>) src(%arg6 : memref<128x768xf32, #tpu.memory_space<vmem>>) dst(%dma_wait3A_40 : memref<128x768xf32, #tpu.memory_space<hbm>>)
      tpu.yield
    }) : () -> ()
    %add3A_25 = arith.constant 384 : i32
    %add3A_26 = arith.addi %mul3A_2, %add3A_25 : i32
    "tpu.region"() ({
      %run_scoped3A = tpu.sem_alloc : memref<!tpu.dma_semaphore, #tpu.memory_space<semaphore_mem>>
      %dma_start3A_33 = tpu.memref_slice %arg2[%add3A_26] : memref<16384xi32, #tpu.memory_space<hbm>> -> memref<128xi32, #tpu.memory_space<hbm>>
      %dma_start3A_34 = tpu.memref_slice %arg2[%add3A_26] : memref<16384xi32, #tpu.memory_space<hbm>> -> memref<128xi32, #tpu.memory_space<hbm>>
      tpu.enqueue_dma source(%dma_start3A_34 : memref<128xi32, #tpu.memory_space<hbm>>) target(%arg5 : memref<128xi32, #tpu.memory_space<vmem>>) target_semaphore(%run_scoped3A : memref<!tpu.dma_semaphore, #tpu.memory_space<semaphore_mem>>)
      %dma_wait3A_35 = tpu.memref_slice %arg2[%add3A_26] : memref<16384xi32, #tpu.memory_space<hbm>> -> memref<128xi32, #tpu.memory_space<hbm>>
      %dma_wait3A_36 = tpu.memref_slice %arg2[%add3A_26] : memref<16384xi32, #tpu.memory_space<hbm>> -> memref<128xi32, #tpu.memory_space<hbm>>
      tpu.wait_dma2 semaphore(%run_scoped3A : memref<!tpu.dma_semaphore, #tpu.memory_space<semaphore_mem>>) src(%dma_wait3A_36 : memref<128xi32, #tpu.memory_space<hbm>>) dst(%arg5 : memref<128xi32, #tpu.memory_space<vmem>>)
      tpu.yield
    }) : () -> ()
    %dma_start3A_27 = arith.constant 0 : i32
    %dma_start3A_28 = arith.constant 0 : i32
    %dma_start3A_29 = tpu.memref_slice %arg3[%dma_start3A_27, %dma_start3A_28] : memref<20480x768xf32, #tpu.memory_space<hbm>> -> memref<20480x768xf32, #tpu.memory_space<hbm>>
    tpu.enqueue_indirect_dma source(%dma_start3A_29 : memref<20480x768xf32, #tpu.memory_space<hbm>>) target(%arg6 : memref<128x768xf32, #tpu.memory_space<vmem>>) offsets(%arg5 : memref<128xi32, #tpu.memory_space<vmem>>) semaphore(%arg7 : memref<!tpu.dma_semaphore, #tpu.memory_space<semaphore_mem>>)
    %dma_wait3A_30 = arith.constant 0 : i32
    %dma_wait3A_31 = arith.constant 0 : i32
    %dma_wait3A_32 = tpu.memref_slice %arg3[%dma_wait3A_30, %dma_wait3A_31] : memref<20480x768xf32, #tpu.memory_space<hbm>> -> memref<20480x768xf32, #tpu.memory_space<hbm>>
    tpu.wait_indirect_dma semaphore(%arg7 : memref<!tpu.dma_semaphore, #tpu.memory_space<semaphore_mem>>) src(%dma_wait3A_32 : memref<20480x768xf32, #tpu.memory_space<hbm>>) dst(%arg6 : memref<128x768xf32, #tpu.memory_space<vmem>>)
    "tpu.region"() ({
      %run_scoped3A = tpu.sem_alloc : memref<!tpu.dma_semaphore, #tpu.memory_space<semaphore_mem>>
      %dma_start3A_33 = arith.constant 0 : i32
      %dma_start3A_34 = tpu.memref_slice %arg4[%add3A_26, %dma_start3A_33] : memref<16384x768xf32, #tpu.memory_space<hbm>> -> memref<128x768xf32, #tpu.memory_space<hbm>>
      %dma_start3A_35 = arith.constant 0 : i32
      %dma_start3A_36 = tpu.memref_slice %arg4[%add3A_26, %dma_start3A_35] : memref<16384x768xf32, #tpu.memory_space<hbm>> -> memref<128x768xf32, #tpu.memory_space<hbm>>
      tpu.enqueue_dma source(%arg6 : memref<128x768xf32, #tpu.memory_space<vmem>>) target(%dma_start3A_36 : memref<128x768xf32, #tpu.memory_space<hbm>>) target_semaphore(%run_scoped3A : memref<!tpu.dma_semaphore, #tpu.memory_space<semaphore_mem>>)
      %dma_wait3A_37 = arith.constant 0 : i32
      %dma_wait3A_38 = tpu.memref_slice %arg4[%add3A_26, %dma_wait3A_37] : memref<16384x768xf32, #tpu.memory_space<hbm>> -> memref<128x768xf32, #tpu.memory_space<hbm>>
      %dma_wait3A_39 = arith.constant 0 : i32
      %dma_wait3A_40 = tpu.memref_slice %arg4[%add3A_26, %dma_wait3A_39] : memref<16384x768xf32, #tpu.memory_space<hbm>> -> memref<128x768xf32, #tpu.memory_space<hbm>>
      tpu.wait_dma2 semaphore(%run_scoped3A : memref<!tpu.dma_semaphore, #tpu.memory_space<semaphore_mem>>) src(%arg6 : memref<128x768xf32, #tpu.memory_space<vmem>>) dst(%dma_wait3A_40 : memref<128x768xf32, #tpu.memory_space<hbm>>)
      tpu.yield
    }) : () -> ()
    return
  }
}

#map = affine_map<(d0, d1) -> (0)>
#map1 = affine_map<(d0, d1) -> (0, 0)>
module attributes {stable_mosaic.version = 14 : i64} {
  func.func @_scatter_body(%arg0: i32, %arg1: i32, %arg2: memref<16384xi32, #tpu.memory_space<hbm>>, %arg3: memref<16384x512xf32, #tpu.memory_space<hbm>>, %arg4: memref<20480x512xf32, #tpu.memory_space<hbm>>, %arg5: memref<128xi32, #tpu.memory_space<vmem>>, %arg6: memref<128x512xf32, #tpu.memory_space<vmem>>, %arg7: memref<!tpu.dma_semaphore, #tpu.memory_space<semaphore_mem>>) attributes {dimension_semantics = [#tpu.dimension_semantics<core_parallel>, #tpu.dimension_semantics<subcore_parallel>], iteration_bounds = array<i64: 2, 16>, scalar_prefetch = 0 : i64, scratch_operands = 3 : i64, tpu.core_type = #tpu.core_type<sc_vector_subcore>, window_params = [{transform_indices = #map}, {transform_indices = #map1}, {transform_indices = #map1}]} {
    %mul3A = arith.constant 2 : i32
    %mul3A_0 = arith.muli %arg1, %mul3A : i32
    %add3A = arith.addi %mul3A_0, %arg0 : i32
    %mul3A_1 = arith.constant 512 : i32
    %mul3A_2 = arith.muli %add3A, %mul3A_1 : i32
    %add3A_3 = arith.constant 0 : i32
    %add3A_4 = arith.addi %mul3A_2, %add3A_3 : i32
    "tpu.region"() ({
      %run_scoped3A = tpu.sem_alloc : memref<!tpu.dma_semaphore, #tpu.memory_space<semaphore_mem>>
      %dma_start3A_33 = tpu.memref_slice %arg2[%add3A_4] : memref<16384xi32, #tpu.memory_space<hbm>> -> memref<128xi32, #tpu.memory_space<hbm>>
      %dma_start3A_34 = tpu.memref_slice %arg2[%add3A_4] : memref<16384xi32, #tpu.memory_space<hbm>> -> memref<128xi32, #tpu.memory_space<hbm>>
      tpu.enqueue_dma source(%dma_start3A_34 : memref<128xi32, #tpu.memory_space<hbm>>) target(%arg5 : memref<128xi32, #tpu.memory_space<vmem>>) target_semaphore(%run_scoped3A : memref<!tpu.dma_semaphore, #tpu.memory_space<semaphore_mem>>)
      %dma_wait3A_35 = tpu.memref_slice %arg2[%add3A_4] : memref<16384xi32, #tpu.memory_space<hbm>> -> memref<128xi32, #tpu.memory_space<hbm>>
      %dma_wait3A_36 = tpu.memref_slice %arg2[%add3A_4] : memref<16384xi32, #tpu.memory_space<hbm>> -> memref<128xi32, #tpu.memory_space<hbm>>
      tpu.wait_dma2 semaphore(%run_scoped3A : memref<!tpu.dma_semaphore, #tpu.memory_space<semaphore_mem>>) src(%dma_wait3A_36 : memref<128xi32, #tpu.memory_space<hbm>>) dst(%arg5 : memref<128xi32, #tpu.memory_space<vmem>>)
      tpu.yield
    }) : () -> ()
    "tpu.region"() ({
      %run_scoped3A = tpu.sem_alloc : memref<!tpu.dma_semaphore, #tpu.memory_space<semaphore_mem>>
      %dma_start3A_33 = arith.constant 0 : i32
      %dma_start3A_34 = tpu.memref_slice %arg3[%add3A_4, %dma_start3A_33] : memref<16384x512xf32, #tpu.memory_space<hbm>> -> memref<128x512xf32, #tpu.memory_space<hbm>>
      %dma_start3A_35 = arith.constant 0 : i32
      %dma_start3A_36 = tpu.memref_slice %arg3[%add3A_4, %dma_start3A_35] : memref<16384x512xf32, #tpu.memory_space<hbm>> -> memref<128x512xf32, #tpu.memory_space<hbm>>
      tpu.enqueue_dma source(%dma_start3A_36 : memref<128x512xf32, #tpu.memory_space<hbm>>) target(%arg6 : memref<128x512xf32, #tpu.memory_space<vmem>>) target_semaphore(%run_scoped3A : memref<!tpu.dma_semaphore, #tpu.memory_space<semaphore_mem>>)
      %dma_wait3A_37 = arith.constant 0 : i32
      %dma_wait3A_38 = tpu.memref_slice %arg3[%add3A_4, %dma_wait3A_37] : memref<16384x512xf32, #tpu.memory_space<hbm>> -> memref<128x512xf32, #tpu.memory_space<hbm>>
      %dma_wait3A_39 = arith.constant 0 : i32
      %dma_wait3A_40 = tpu.memref_slice %arg3[%add3A_4, %dma_wait3A_39] : memref<16384x512xf32, #tpu.memory_space<hbm>> -> memref<128x512xf32, #tpu.memory_space<hbm>>
      tpu.wait_dma2 semaphore(%run_scoped3A : memref<!tpu.dma_semaphore, #tpu.memory_space<semaphore_mem>>) src(%dma_wait3A_40 : memref<128x512xf32, #tpu.memory_space<hbm>>) dst(%arg6 : memref<128x512xf32, #tpu.memory_space<vmem>>)
      tpu.yield
    }) : () -> ()
    %dma_start3A = arith.constant 0 : i32
    %dma_start3A_5 = arith.constant 0 : i32
    %dma_start3A_6 = tpu.memref_slice %arg4[%dma_start3A, %dma_start3A_5] : memref<20480x512xf32, #tpu.memory_space<hbm>> -> memref<20480x512xf32, #tpu.memory_space<hbm>>
    tpu.enqueue_indirect_dma source(%arg6 : memref<128x512xf32, #tpu.memory_space<vmem>>) target(%dma_start3A_6 : memref<20480x512xf32, #tpu.memory_space<hbm>>) offsets(%arg5 : memref<128xi32, #tpu.memory_space<vmem>>) semaphore(%arg7 : memref<!tpu.dma_semaphore, #tpu.memory_space<semaphore_mem>>)
    %dma_wait3A = arith.constant 0 : i32
    %dma_wait3A_7 = arith.constant 0 : i32
    %dma_wait3A_8 = tpu.memref_slice %arg4[%dma_wait3A, %dma_wait3A_7] : memref<20480x512xf32, #tpu.memory_space<hbm>> -> memref<20480x512xf32, #tpu.memory_space<hbm>>
    tpu.wait_indirect_dma semaphore(%arg7 : memref<!tpu.dma_semaphore, #tpu.memory_space<semaphore_mem>>) src(%arg6 : memref<128x512xf32, #tpu.memory_space<vmem>>) dst(%dma_wait3A_8 : memref<20480x512xf32, #tpu.memory_space<hbm>>)
    %add3A_9 = arith.constant 128 : i32
    %add3A_10 = arith.addi %mul3A_2, %add3A_9 : i32
    "tpu.region"() ({
      %run_scoped3A = tpu.sem_alloc : memref<!tpu.dma_semaphore, #tpu.memory_space<semaphore_mem>>
      %dma_start3A_33 = tpu.memref_slice %arg2[%add3A_10] : memref<16384xi32, #tpu.memory_space<hbm>> -> memref<128xi32, #tpu.memory_space<hbm>>
      %dma_start3A_34 = tpu.memref_slice %arg2[%add3A_10] : memref<16384xi32, #tpu.memory_space<hbm>> -> memref<128xi32, #tpu.memory_space<hbm>>
      tpu.enqueue_dma source(%dma_start3A_34 : memref<128xi32, #tpu.memory_space<hbm>>) target(%arg5 : memref<128xi32, #tpu.memory_space<vmem>>) target_semaphore(%run_scoped3A : memref<!tpu.dma_semaphore, #tpu.memory_space<semaphore_mem>>)
      %dma_wait3A_35 = tpu.memref_slice %arg2[%add3A_10] : memref<16384xi32, #tpu.memory_space<hbm>> -> memref<128xi32, #tpu.memory_space<hbm>>
      %dma_wait3A_36 = tpu.memref_slice %arg2[%add3A_10] : memref<16384xi32, #tpu.memory_space<hbm>> -> memref<128xi32, #tpu.memory_space<hbm>>
      tpu.wait_dma2 semaphore(%run_scoped3A : memref<!tpu.dma_semaphore, #tpu.memory_space<semaphore_mem>>) src(%dma_wait3A_36 : memref<128xi32, #tpu.memory_space<hbm>>) dst(%arg5 : memref<128xi32, #tpu.memory_space<vmem>>)
      tpu.yield
    }) : () -> ()
    "tpu.region"() ({
      %run_scoped3A = tpu.sem_alloc : memref<!tpu.dma_semaphore, #tpu.memory_space<semaphore_mem>>
      %dma_start3A_33 = arith.constant 0 : i32
      %dma_start3A_34 = tpu.memref_slice %arg3[%add3A_10, %dma_start3A_33] : memref<16384x512xf32, #tpu.memory_space<hbm>> -> memref<128x512xf32, #tpu.memory_space<hbm>>
      %dma_start3A_35 = arith.constant 0 : i32
      %dma_start3A_36 = tpu.memref_slice %arg3[%add3A_10, %dma_start3A_35] : memref<16384x512xf32, #tpu.memory_space<hbm>> -> memref<128x512xf32, #tpu.memory_space<hbm>>
      tpu.enqueue_dma source(%dma_start3A_36 : memref<128x512xf32, #tpu.memory_space<hbm>>) target(%arg6 : memref<128x512xf32, #tpu.memory_space<vmem>>) target_semaphore(%run_scoped3A : memref<!tpu.dma_semaphore, #tpu.memory_space<semaphore_mem>>)
      %dma_wait3A_37 = arith.constant 0 : i32
      %dma_wait3A_38 = tpu.memref_slice %arg3[%add3A_10, %dma_wait3A_37] : memref<16384x512xf32, #tpu.memory_space<hbm>> -> memref<128x512xf32, #tpu.memory_space<hbm>>
      %dma_wait3A_39 = arith.constant 0 : i32
      %dma_wait3A_40 = tpu.memref_slice %arg3[%add3A_10, %dma_wait3A_39] : memref<16384x512xf32, #tpu.memory_space<hbm>> -> memref<128x512xf32, #tpu.memory_space<hbm>>
      tpu.wait_dma2 semaphore(%run_scoped3A : memref<!tpu.dma_semaphore, #tpu.memory_space<semaphore_mem>>) src(%dma_wait3A_40 : memref<128x512xf32, #tpu.memory_space<hbm>>) dst(%arg6 : memref<128x512xf32, #tpu.memory_space<vmem>>)
      tpu.yield
    }) : () -> ()
    %dma_start3A_11 = arith.constant 0 : i32
    %dma_start3A_12 = arith.constant 0 : i32
    %dma_start3A_13 = tpu.memref_slice %arg4[%dma_start3A_11, %dma_start3A_12] : memref<20480x512xf32, #tpu.memory_space<hbm>> -> memref<20480x512xf32, #tpu.memory_space<hbm>>
    tpu.enqueue_indirect_dma source(%arg6 : memref<128x512xf32, #tpu.memory_space<vmem>>) target(%dma_start3A_13 : memref<20480x512xf32, #tpu.memory_space<hbm>>) offsets(%arg5 : memref<128xi32, #tpu.memory_space<vmem>>) semaphore(%arg7 : memref<!tpu.dma_semaphore, #tpu.memory_space<semaphore_mem>>)
    %dma_wait3A_14 = arith.constant 0 : i32
    %dma_wait3A_15 = arith.constant 0 : i32
    %dma_wait3A_16 = tpu.memref_slice %arg4[%dma_wait3A_14, %dma_wait3A_15] : memref<20480x512xf32, #tpu.memory_space<hbm>> -> memref<20480x512xf32, #tpu.memory_space<hbm>>
    tpu.wait_indirect_dma semaphore(%arg7 : memref<!tpu.dma_semaphore, #tpu.memory_space<semaphore_mem>>) src(%arg6 : memref<128x512xf32, #tpu.memory_space<vmem>>) dst(%dma_wait3A_16 : memref<20480x512xf32, #tpu.memory_space<hbm>>)
    %add3A_17 = arith.constant 256 : i32
    %add3A_18 = arith.addi %mul3A_2, %add3A_17 : i32
    "tpu.region"() ({
      %run_scoped3A = tpu.sem_alloc : memref<!tpu.dma_semaphore, #tpu.memory_space<semaphore_mem>>
      %dma_start3A_33 = tpu.memref_slice %arg2[%add3A_18] : memref<16384xi32, #tpu.memory_space<hbm>> -> memref<128xi32, #tpu.memory_space<hbm>>
      %dma_start3A_34 = tpu.memref_slice %arg2[%add3A_18] : memref<16384xi32, #tpu.memory_space<hbm>> -> memref<128xi32, #tpu.memory_space<hbm>>
      tpu.enqueue_dma source(%dma_start3A_34 : memref<128xi32, #tpu.memory_space<hbm>>) target(%arg5 : memref<128xi32, #tpu.memory_space<vmem>>) target_semaphore(%run_scoped3A : memref<!tpu.dma_semaphore, #tpu.memory_space<semaphore_mem>>)
      %dma_wait3A_35 = tpu.memref_slice %arg2[%add3A_18] : memref<16384xi32, #tpu.memory_space<hbm>> -> memref<128xi32, #tpu.memory_space<hbm>>
      %dma_wait3A_36 = tpu.memref_slice %arg2[%add3A_18] : memref<16384xi32, #tpu.memory_space<hbm>> -> memref<128xi32, #tpu.memory_space<hbm>>
      tpu.wait_dma2 semaphore(%run_scoped3A : memref<!tpu.dma_semaphore, #tpu.memory_space<semaphore_mem>>) src(%dma_wait3A_36 : memref<128xi32, #tpu.memory_space<hbm>>) dst(%arg5 : memref<128xi32, #tpu.memory_space<vmem>>)
      tpu.yield
    }) : () -> ()
    "tpu.region"() ({
      %run_scoped3A = tpu.sem_alloc : memref<!tpu.dma_semaphore, #tpu.memory_space<semaphore_mem>>
      %dma_start3A_33 = arith.constant 0 : i32
      %dma_start3A_34 = tpu.memref_slice %arg3[%add3A_18, %dma_start3A_33] : memref<16384x512xf32, #tpu.memory_space<hbm>> -> memref<128x512xf32, #tpu.memory_space<hbm>>
      %dma_start3A_35 = arith.constant 0 : i32
      %dma_start3A_36 = tpu.memref_slice %arg3[%add3A_18, %dma_start3A_35] : memref<16384x512xf32, #tpu.memory_space<hbm>> -> memref<128x512xf32, #tpu.memory_space<hbm>>
      tpu.enqueue_dma source(%dma_start3A_36 : memref<128x512xf32, #tpu.memory_space<hbm>>) target(%arg6 : memref<128x512xf32, #tpu.memory_space<vmem>>) target_semaphore(%run_scoped3A : memref<!tpu.dma_semaphore, #tpu.memory_space<semaphore_mem>>)
      %dma_wait3A_37 = arith.constant 0 : i32
      %dma_wait3A_38 = tpu.memref_slice %arg3[%add3A_18, %dma_wait3A_37] : memref<16384x512xf32, #tpu.memory_space<hbm>> -> memref<128x512xf32, #tpu.memory_space<hbm>>
      %dma_wait3A_39 = arith.constant 0 : i32
      %dma_wait3A_40 = tpu.memref_slice %arg3[%add3A_18, %dma_wait3A_39] : memref<16384x512xf32, #tpu.memory_space<hbm>> -> memref<128x512xf32, #tpu.memory_space<hbm>>
      tpu.wait_dma2 semaphore(%run_scoped3A : memref<!tpu.dma_semaphore, #tpu.memory_space<semaphore_mem>>) src(%dma_wait3A_40 : memref<128x512xf32, #tpu.memory_space<hbm>>) dst(%arg6 : memref<128x512xf32, #tpu.memory_space<vmem>>)
      tpu.yield
    }) : () -> ()
    %dma_start3A_19 = arith.constant 0 : i32
    %dma_start3A_20 = arith.constant 0 : i32
    %dma_start3A_21 = tpu.memref_slice %arg4[%dma_start3A_19, %dma_start3A_20] : memref<20480x512xf32, #tpu.memory_space<hbm>> -> memref<20480x512xf32, #tpu.memory_space<hbm>>
    tpu.enqueue_indirect_dma source(%arg6 : memref<128x512xf32, #tpu.memory_space<vmem>>) target(%dma_start3A_21 : memref<20480x512xf32, #tpu.memory_space<hbm>>) offsets(%arg5 : memref<128xi32, #tpu.memory_space<vmem>>) semaphore(%arg7 : memref<!tpu.dma_semaphore, #tpu.memory_space<semaphore_mem>>)
    %dma_wait3A_22 = arith.constant 0 : i32
    %dma_wait3A_23 = arith.constant 0 : i32
    %dma_wait3A_24 = tpu.memref_slice %arg4[%dma_wait3A_22, %dma_wait3A_23] : memref<20480x512xf32, #tpu.memory_space<hbm>> -> memref<20480x512xf32, #tpu.memory_space<hbm>>
    tpu.wait_indirect_dma semaphore(%arg7 : memref<!tpu.dma_semaphore, #tpu.memory_space<semaphore_mem>>) src(%arg6 : memref<128x512xf32, #tpu.memory_space<vmem>>) dst(%dma_wait3A_24 : memref<20480x512xf32, #tpu.memory_space<hbm>>)
    %add3A_25 = arith.constant 384 : i32
    %add3A_26 = arith.addi %mul3A_2, %add3A_25 : i32
    "tpu.region"() ({
      %run_scoped3A = tpu.sem_alloc : memref<!tpu.dma_semaphore, #tpu.memory_space<semaphore_mem>>
      %dma_start3A_33 = tpu.memref_slice %arg2[%add3A_26] : memref<16384xi32, #tpu.memory_space<hbm>> -> memref<128xi32, #tpu.memory_space<hbm>>
      %dma_start3A_34 = tpu.memref_slice %arg2[%add3A_26] : memref<16384xi32, #tpu.memory_space<hbm>> -> memref<128xi32, #tpu.memory_space<hbm>>
      tpu.enqueue_dma source(%dma_start3A_34 : memref<128xi32, #tpu.memory_space<hbm>>) target(%arg5 : memref<128xi32, #tpu.memory_space<vmem>>) target_semaphore(%run_scoped3A : memref<!tpu.dma_semaphore, #tpu.memory_space<semaphore_mem>>)
      %dma_wait3A_35 = tpu.memref_slice %arg2[%add3A_26] : memref<16384xi32, #tpu.memory_space<hbm>> -> memref<128xi32, #tpu.memory_space<hbm>>
      %dma_wait3A_36 = tpu.memref_slice %arg2[%add3A_26] : memref<16384xi32, #tpu.memory_space<hbm>> -> memref<128xi32, #tpu.memory_space<hbm>>
      tpu.wait_dma2 semaphore(%run_scoped3A : memref<!tpu.dma_semaphore, #tpu.memory_space<semaphore_mem>>) src(%dma_wait3A_36 : memref<128xi32, #tpu.memory_space<hbm>>) dst(%arg5 : memref<128xi32, #tpu.memory_space<vmem>>)
      tpu.yield
    }) : () -> ()
    "tpu.region"() ({
      %run_scoped3A = tpu.sem_alloc : memref<!tpu.dma_semaphore, #tpu.memory_space<semaphore_mem>>
      %dma_start3A_33 = arith.constant 0 : i32
      %dma_start3A_34 = tpu.memref_slice %arg3[%add3A_26, %dma_start3A_33] : memref<16384x512xf32, #tpu.memory_space<hbm>> -> memref<128x512xf32, #tpu.memory_space<hbm>>
      %dma_start3A_35 = arith.constant 0 : i32
      %dma_start3A_36 = tpu.memref_slice %arg3[%add3A_26, %dma_start3A_35] : memref<16384x512xf32, #tpu.memory_space<hbm>> -> memref<128x512xf32, #tpu.memory_space<hbm>>
      tpu.enqueue_dma source(%dma_start3A_36 : memref<128x512xf32, #tpu.memory_space<hbm>>) target(%arg6 : memref<128x512xf32, #tpu.memory_space<vmem>>) target_semaphore(%run_scoped3A : memref<!tpu.dma_semaphore, #tpu.memory_space<semaphore_mem>>)
      %dma_wait3A_37 = arith.constant 0 : i32
      %dma_wait3A_38 = tpu.memref_slice %arg3[%add3A_26, %dma_wait3A_37] : memref<16384x512xf32, #tpu.memory_space<hbm>> -> memref<128x512xf32, #tpu.memory_space<hbm>>
      %dma_wait3A_39 = arith.constant 0 : i32
      %dma_wait3A_40 = tpu.memref_slice %arg3[%add3A_26, %dma_wait3A_39] : memref<16384x512xf32, #tpu.memory_space<hbm>> -> memref<128x512xf32, #tpu.memory_space<hbm>>
      tpu.wait_dma2 semaphore(%run_scoped3A : memref<!tpu.dma_semaphore, #tpu.memory_space<semaphore_mem>>) src(%dma_wait3A_40 : memref<128x512xf32, #tpu.memory_space<hbm>>) dst(%arg6 : memref<128x512xf32, #tpu.memory_space<vmem>>)
      tpu.yield
    }) : () -> ()
    %dma_start3A_27 = arith.constant 0 : i32
    %dma_start3A_28 = arith.constant 0 : i32
    %dma_start3A_29 = tpu.memref_slice %arg4[%dma_start3A_27, %dma_start3A_28] : memref<20480x512xf32, #tpu.memory_space<hbm>> -> memref<20480x512xf32, #tpu.memory_space<hbm>>
    tpu.enqueue_indirect_dma source(%arg6 : memref<128x512xf32, #tpu.memory_space<vmem>>) target(%dma_start3A_29 : memref<20480x512xf32, #tpu.memory_space<hbm>>) offsets(%arg5 : memref<128xi32, #tpu.memory_space<vmem>>) semaphore(%arg7 : memref<!tpu.dma_semaphore, #tpu.memory_space<semaphore_mem>>)
    %dma_wait3A_30 = arith.constant 0 : i32
    %dma_wait3A_31 = arith.constant 0 : i32
    %dma_wait3A_32 = tpu.memref_slice %arg4[%dma_wait3A_30, %dma_wait3A_31] : memref<20480x512xf32, #tpu.memory_space<hbm>> -> memref<20480x512xf32, #tpu.memory_space<hbm>>
    tpu.wait_indirect_dma semaphore(%arg7 : memref<!tpu.dma_semaphore, #tpu.memory_space<semaphore_mem>>) src(%arg6 : memref<128x512xf32, #tpu.memory_space<vmem>>) dst(%dma_wait3A_32 : memref<20480x512xf32, #tpu.memory_space<hbm>>)
    return
  }
}

module attributes {stable_mosaic.version = 14 : i64} {
  func.func @_concat_body(%arg0: i32, %arg1: memref<512x768xf32, #tpu.memory_space<vmem>>, %arg2: memref<16384x64xf32, #tpu.memory_space<vmem>>, %arg3: memref<512x512xf32, #tpu.memory_space<vmem>>) attributes {dimension_semantics = [#tpu.dimension_semantics<arbitrary>], iteration_bounds = array<i64: 32>, scalar_prefetch = 0 : i64, scratch_operands = 0 : i64, tpu.core_type = #tpu.core_type<tc>, window_params = [{transform_indices = @transform_0, window_bounds = array<i64: 512, 768>}, {pipeline_mode = #tpu.pipeline_mode<synchronous>, transform_indices = @transform_1, window_bounds = array<i64: 16384, 64>}, {transform_indices = @transform_2, window_bounds = array<i64: 512, 512>}]} {
    %get3A = arith.constant 0 : index
    %get3A_0 = arith.constant 0 : index
    %get3A_1 = vector.load %arg1[%get3A, %get3A_0] : memref<512x768xf32, #tpu.memory_space<vmem>>, vector<512x768xf32>
    %slice3A = vector.extract_strided_slice %get3A_1 {offsets = [0, 0], sizes = [512, 512], strides = [1, 1]} : vector<512x768xf32> to vector<512x512xf32>
    %mul3A = arith.constant 512 : i32
    %mul3A_2 = arith.muli %arg0, %mul3A : i32
    %get3A_3 = arith.index_cast %mul3A_2 : i32 to index
    %get3A_4 = arith.constant 0 : index
    %get3A_5 = vector.load %arg2[%get3A_3, %get3A_4] : memref<16384x64xf32, #tpu.memory_space<vmem>>, vector<512x64xf32>
    %broadcast_in_dim3A = arith.constant 0.000000e+00 : f32
    %broadcast_in_dim3A_6 = vector.broadcast %broadcast_in_dim3A : f32 to vector<512x192xf32>
    %slice3A_7 = vector.extract_strided_slice %get3A_1 {offsets = [0, 512], sizes = [512, 256], strides = [1, 1]} : vector<512x768xf32> to vector<512x256xf32>
    %concatenate3A = tpu.concatenate %slice3A_7, %get3A_5, %broadcast_in_dim3A_6 in 1 : vector<512x256xf32>, vector<512x64xf32>, vector<512x192xf32> -> vector<512x512xf32>
    %bitcast_convert_type3A = tpu.bitcast %slice3A : vector<512x512xf32> -> vector<512x512xi32>
    %bitcast_convert_type3A_8 = tpu.bitcast %concatenate3A : vector<512x512xf32> -> vector<512x512xi32>
    %add3A = arith.constant 32768 : i32
    %add3A_9 = vector.broadcast %add3A : i32 to vector<512x512xi32>
    %add3A_10 = arith.addi %bitcast_convert_type3A, %add3A_9 : vector<512x512xi32>
    %and3A = arith.constant -65536 : i32
    %and3A_11 = vector.broadcast %and3A : i32 to vector<512x512xi32>
    %and3A_12 = arith.andi %add3A_10, %and3A_11 : vector<512x512xi32>
    %add3A_13 = arith.constant 32768 : i32
    %add3A_14 = vector.broadcast %add3A_13 : i32 to vector<512x512xi32>
    %add3A_15 = arith.addi %bitcast_convert_type3A_8, %add3A_14 : vector<512x512xi32>
    %shift_right_logical3A = arith.constant 16 : i32
    %shift_right_logical3A_16 = vector.broadcast %shift_right_logical3A : i32 to vector<512x512xi32>
    %shift_right_logical3A_17 = arith.shrui %add3A_15, %shift_right_logical3A_16 : vector<512x512xi32>
    %or3A = arith.ori %and3A_12, %shift_right_logical3A_17 : vector<512x512xi32>
    %bitcast_convert_type3A_18 = tpu.bitcast %or3A : vector<512x512xi32> -> vector<512x512xf32>
    %swap3A = arith.constant 0 : index
    %swap3A_19 = arith.constant 0 : index
    %swap3A_20 = vector.load %arg3[%swap3A, %swap3A_19] : memref<512x512xf32, #tpu.memory_space<vmem>>, vector<512x512xf32>
    tpu.vector_store %arg3[%swap3A, %swap3A_19], %bitcast_convert_type3A_18 {strides = array<i32>} : memref<512x512xf32, #tpu.memory_space<vmem>>, vector<512x512xf32>,
    return
  }
  func.func @transform_0(%arg0: i32) -> (i32, i32) {
    %c0_i32 = arith.constant 0 : i32
    %c0_i32_0 = arith.constant 0 : i32
    return %arg0, %c0_i32 : i32, i32
  }
  func.func @transform_1(%arg0: i32) -> (i32, i32) {
    %c0_i32 = arith.constant 0 : i32
    %c0_i32_0 = arith.constant 0 : i32
    %c0_i32_1 = arith.constant 0 : i32
    return %c0_i32, %c0_i32_0 : i32, i32
  }
  func.func @transform_2(%arg0: i32) -> (i32, i32) {
    %c0_i32 = arith.constant 0 : i32
    %c0_i32_0 = arith.constant 0 : i32
    return %arg0, %c0_i32 : i32, i32
  }
}

module attributes {stable_mosaic.version = 14 : i64} {
  func.func @_mlp_body(%arg0: i32, %arg1: memref<80xi32, #tpu.memory_space<smem>>, %arg2: memref<256x512xf32, #tpu.memory_space<vmem>>, %arg3: memref<16x832x256xf32, #tpu.memory_space<vmem>>, %arg4: memref<16x1x256xf32, #tpu.memory_space<vmem>>, %arg5: memref<16x256x768xf32, #tpu.memory_space<vmem>>, %arg6: memref<16x1x768xf32, #tpu.memory_space<vmem>>, %arg7: memref<256x768xf32, #tpu.memory_space<vmem>>, %arg8: memref<16x768x256xbf16, #tpu.memory_space<vmem>>, %arg9: memref<16x128x256xbf16, #tpu.memory_space<vmem>>, %arg10: memref<16x256x768xbf16, #tpu.memory_space<vmem>>) attributes {dimension_semantics = [#tpu.dimension_semantics<arbitrary>], iteration_bounds = array<i64: 80>, scalar_prefetch = 1 : i64, scratch_operands = 3 : i64, tpu.core_type = #tpu.core_type<tc>, window_params = [{transform_indices = @transform_0, window_bounds = array<i64: 256, 512>}, {pipeline_mode = #tpu.pipeline_mode<synchronous>, transform_indices = @transform_1, window_bounds = array<i64: 16, 832, 256>}, {pipeline_mode = #tpu.pipeline_mode<synchronous>, transform_indices = @transform_2, window_bounds = array<i64: 16, 1, 256>}, {pipeline_mode = #tpu.pipeline_mode<synchronous>, transform_indices = @transform_3, window_bounds = array<i64: 16, 256, 768>}, {pipeline_mode = #tpu.pipeline_mode<synchronous>, transform_indices = @transform_4, window_bounds = array<i64: 16, 1, 768>}, {transform_indices = @transform_5, window_bounds = array<i64: 256, 768>}]} {
    %get3A = arith.index_cast %arg0 : i32 to index
    %get3A_0 = memref.load %arg1[%get3A] : memref<80xi32, #tpu.memory_space<smem>>
    %eq3A = arith.constant 0 : i32
    %eq3A_1 = arith.cmpi eq, %arg0, %eq3A : i32
    %convert_element_type3A = arith.extui %eq3A_1 : i1 to i32
    %cond3A = arith.constant 0 : i32
    %cond3A_2 = arith.cmpi ne, %convert_element_type3A, %cond3A : i32
    scf.if %cond3A_2 {
      %get3A_63 = arith.constant 0 : index
      %get3A_64 = arith.constant 0 : index
      %get3A_65 = arith.constant 0 : index
      %get3A_66 = vector.load %arg3[%get3A_63, %get3A_64, %get3A_65] : memref<16x832x256xf32, #tpu.memory_space<vmem>>, vector<16x768x256xf32>
      %convert_element_type3A_67 = arith.truncf %get3A_66 : vector<16x768x256xf32> to vector<16x768x256xbf16>
      %swap3A_68 = arith.constant 0 : index
      %swap3A_69 = arith.constant 0 : index
      %swap3A_70 = arith.constant 0 : index
      %swap3A_71 = vector.load %arg8[%swap3A_68, %swap3A_69, %swap3A_70] : memref<16x768x256xbf16, #tpu.memory_space<vmem>>, vector<16x768x256xbf16>
      tpu.vector_store %arg8[%swap3A_68, %swap3A_69, %swap3A_70], %convert_element_type3A_67 {strides = array<i32>} : memref<16x768x256xbf16, #tpu.memory_space<vmem>>, vector<16x768x256xbf16>,
      %get3A_72 = arith.constant 0 : index
      %get3A_73 = arith.constant 768 : index
      %get3A_74 = arith.constant 0 : index
      %get3A_75 = vector.load %arg3[%get3A_72, %get3A_73, %get3A_74] : memref<16x832x256xf32, #tpu.memory_space<vmem>>, vector<16x64x256xf32>
      %broadcast_in_dim3A_76 = arith.constant 0.000000e+00 : f32
      %broadcast_in_dim3A_77 = vector.broadcast %broadcast_in_dim3A_76 : f32 to vector<16x64x256xf32>
      %concatenate3A = tpu.concatenate %get3A_75, %broadcast_in_dim3A_77 in 1 : vector<16x64x256xf32>, vector<16x64x256xf32> -> vector<16x128x256xf32>
      %convert_element_type3A_78 = arith.truncf %concatenate3A : vector<16x128x256xf32> to vector<16x128x256xbf16>
      %swap3A_79 = arith.constant 0 : index
      %swap3A_80 = arith.constant 0 : index
      %swap3A_81 = arith.constant 0 : index
      %swap3A_82 = vector.load %arg9[%swap3A_79, %swap3A_80, %swap3A_81] : memref<16x128x256xbf16, #tpu.memory_space<vmem>>, vector<16x128x256xbf16>
      tpu.vector_store %arg9[%swap3A_79, %swap3A_80, %swap3A_81], %convert_element_type3A_78 {strides = array<i32>} : memref<16x128x256xbf16, #tpu.memory_space<vmem>>, vector<16x128x256xbf16>,
      %get3A_83 = arith.constant 0 : index
      %get3A_84 = arith.constant 0 : index
      %get3A_85 = arith.constant 0 : index
      %get3A_86 = vector.load %arg5[%get3A_83, %get3A_84, %get3A_85] : memref<16x256x768xf32, #tpu.memory_space<vmem>>, vector<16x256x768xf32>
      %convert_element_type3A_87 = arith.truncf %get3A_86 : vector<16x256x768xf32> to vector<16x256x768xbf16>
      %swap3A_88 = arith.constant 0 : index
      %swap3A_89 = arith.constant 0 : index
      %swap3A_90 = arith.constant 0 : index
      %swap3A_91 = vector.load %arg10[%swap3A_88, %swap3A_89, %swap3A_90] : memref<16x256x768xbf16, #tpu.memory_space<vmem>>, vector<16x256x768xbf16>
      tpu.vector_store %arg10[%swap3A_88, %swap3A_89, %swap3A_90], %convert_element_type3A_87 {strides = array<i32>} : memref<16x256x768xbf16, #tpu.memory_space<vmem>>, vector<16x256x768xbf16>,
    } else {
    }
    %get3A_3 = arith.constant 0 : index
    %get3A_4 = arith.constant 0 : index
    %get3A_5 = vector.load %arg2[%get3A_3, %get3A_4] : memref<256x512xf32, #tpu.memory_space<vmem>>, vector<256x512xf32>
    %bitcast_convert_type3A = tpu.bitcast %get3A_5 : vector<256x512xf32> -> vector<256x512xi32>
    %and3A = arith.constant -65536 : i32
    %and3A_6 = vector.broadcast %and3A : i32 to vector<256x512xi32>
    %and3A_7 = arith.andi %bitcast_convert_type3A, %and3A_6 : vector<256x512xi32>
    %bitcast_convert_type3A_8 = tpu.bitcast %and3A_7 : vector<256x512xi32> -> vector<256x512xf32>
    %convert_element_type3A_9 = arith.truncf %bitcast_convert_type3A_8 : vector<256x512xf32> to vector<256x512xbf16>
    %shift_left3A = arith.constant 16 : i32
    %shift_left3A_10 = vector.broadcast %shift_left3A : i32 to vector<256x512xi32>
    %shift_left3A_11 = arith.shli %bitcast_convert_type3A, %shift_left3A_10 : vector<256x512xi32>
    %bitcast_convert_type3A_12 = tpu.bitcast %shift_left3A_11 : vector<256x512xi32> -> vector<256x512xf32>
    %convert_element_type3A_13 = arith.truncf %bitcast_convert_type3A_12 : vector<256x512xf32> to vector<256x512xbf16>
    %get3A_14 = arith.index_cast %get3A_0 : i32 to index
    %get3A_15 = arith.constant 0 : index
    %get3A_16 = arith.constant 0 : index
    %get3A_17 = vector.load %arg8[%get3A_14, %get3A_15, %get3A_16] : memref<16x768x256xbf16, #tpu.memory_space<vmem>>, vector<1x512x256xbf16>
    %get3A_18 = vector.shape_cast %get3A_17 : vector<1x512x256xbf16> to vector<512x256xbf16>
    %dot_general3A = arith.constant dense<0.000000e+00> : vector<256x256xf32>
    %dot_general3A_19 = tpu.matmul %convert_element_type3A_9, %get3A_18, %dot_general3A {dimension_numbers = #tpu.dot_dimension_numbers<[1], [0], [0], [1], [0, 0, 1, 1], [], []>, transpose_lhs_hint = false} : vector<256x512xbf16>, vector<512x256xbf16>, vector<256x256xf32> -> vector<256x256xf32>
    %slice3A = vector.extract_strided_slice %convert_element_type3A_13 {offsets = [0, 0], sizes = [256, 256], strides = [1, 1]} : vector<256x512xbf16> to vector<256x256xbf16>
    %get3A_20 = arith.index_cast %get3A_0 : i32 to index
    %get3A_21 = arith.constant 512 : index
    %get3A_22 = arith.constant 0 : index
    %get3A_23 = vector.load %arg8[%get3A_20, %get3A_21, %get3A_22] : memref<16x768x256xbf16, #tpu.memory_space<vmem>>, vector<1x256x256xbf16>
    %get3A_24 = vector.shape_cast %get3A_23 : vector<1x256x256xbf16> to vector<256x256xbf16>
    %dot_general3A_25 = arith.constant dense<0.000000e+00> : vector<256x256xf32>
    %dot_general3A_26 = tpu.matmul %slice3A, %get3A_24, %dot_general3A_25 {dimension_numbers = #tpu.dot_dimension_numbers<[1], [0], [0], [1], [0, 0, 1, 1], [], []>, transpose_lhs_hint = false} : vector<256x256xbf16>, vector<256x256xbf16>, vector<256x256xf32> -> vector<256x256xf32>
    %add3A = arith.addf %dot_general3A_19, %dot_general3A_26 : vector<256x256xf32>
    %slice3A_27 = vector.extract_strided_slice %convert_element_type3A_13 {offsets = [0, 256], sizes = [256, 128], strides = [1, 1]} : vector<256x512xbf16> to vector<256x128xbf16>
    %get3A_28 = arith.index_cast %get3A_0 : i32 to index
    %get3A_29 = arith.constant 0 : index
    %get3A_30 = arith.constant 0 : index
    %get3A_31 = vector.load %arg9[%get3A_28, %get3A_29, %get3A_30] : memref<16x128x256xbf16, #tpu.memory_space<vmem>>, vector<1x128x256xbf16>
    %get3A_32 = vector.shape_cast %get3A_31 : vector<1x128x256xbf16> to vector<128x256xbf16>
    %dot_general3A_33 = arith.constant dense<0.000000e+00> : vector<256x256xf32>
    %dot_general3A_34 = tpu.matmul %slice3A_27, %get3A_32, %dot_general3A_33 {dimension_numbers = #tpu.dot_dimension_numbers<[1], [0], [0], [1], [0, 0, 1, 1], [], []>, transpose_lhs_hint = false} : vector<256x128xbf16>, vector<128x256xbf16>, vector<256x256xf32> -> vector<256x256xf32>
    %add3A_35 = arith.addf %add3A, %dot_general3A_34 : vector<256x256xf32>
    %get3A_36 = arith.index_cast %get3A_0 : i32 to index
    %get3A_37 = arith.constant 0 : index
    %get3A_38 = arith.constant 0 : index
    %get3A_39 = vector.load %arg4[%get3A_36, %get3A_37, %get3A_38] : memref<16x1x256xf32, #tpu.memory_space<vmem>>, vector<1x1x256xf32>
    %get3A_40 = vector.shape_cast %get3A_39 : vector<1x1x256xf32> to vector<256xf32>
    %broadcast_in_dim3A = vector.shape_cast %get3A_40 : vector<256xf32> to vector<1x256xf32>
    %add3A_41 = vector.broadcast %broadcast_in_dim3A : vector<1x256xf32> to vector<256x256xf32>
    %add3A_42 = arith.addf %add3A_35, %add3A_41 : vector<256x256xf32>
    %max3A = arith.constant 0.000000e+00 : f32
    %max3A_43 = vector.broadcast %max3A : f32 to vector<256x256xf32>
    %max3A_44 = arith.maximumf %add3A_42, %max3A_43 : vector<256x256xf32>
    %convert_element_type3A_45 = arith.truncf %max3A_44 : vector<256x256xf32> to vector<256x256xbf16>
    %get3A_46 = arith.index_cast %get3A_0 : i32 to index
    %get3A_47 = arith.constant 0 : index
    %get3A_48 = arith.constant 0 : index
    %get3A_49 = vector.load %arg10[%get3A_46, %get3A_47, %get3A_48] : memref<16x256x768xbf16, #tpu.memory_space<vmem>>, vector<1x256x768xbf16>
    %get3A_50 = vector.shape_cast %get3A_49 : vector<1x256x768xbf16> to vector<256x768xbf16>
    %dot_general3A_51 = arith.constant dense<0.000000e+00> : vector<256x768xf32>
    %dot_general3A_52 = tpu.matmul %convert_element_type3A_45, %get3A_50, %dot_general3A_51 {dimension_numbers = #tpu.dot_dimension_numbers<[1], [0], [0], [1], [0, 0, 1, 1], [], []>, transpose_lhs_hint = false} : vector<256x256xbf16>, vector<256x768xbf16>, vector<256x768xf32> -> vector<256x768xf32>
    %get3A_53 = arith.index_cast %get3A_0 : i32 to index
    %get3A_54 = arith.constant 0 : index
    %get3A_55 = arith.constant 0 : index
    %get3A_56 = vector.load %arg6[%get3A_53, %get3A_54, %get3A_55] : memref<16x1x768xf32, #tpu.memory_space<vmem>>, vector<1x1x768xf32>
    %get3A_57 = vector.shape_cast %get3A_56 : vector<1x1x768xf32> to vector<768xf32>
    %broadcast_in_dim3A_58 = vector.shape_cast %get3A_57 : vector<768xf32> to vector<1x768xf32>
    %add3A_59 = vector.broadcast %broadcast_in_dim3A_58 : vector<1x768xf32> to vector<256x768xf32>
    %add3A_60 = arith.addf %dot_general3A_52, %add3A_59 : vector<256x768xf32>
    %swap3A = arith.constant 0 : index
    %swap3A_61 = arith.constant 0 : index
    %swap3A_62 = vector.load %arg7[%swap3A, %swap3A_61] : memref<256x768xf32, #tpu.memory_space<vmem>>, vector<256x768xf32>
    tpu.vector_store %arg7[%swap3A, %swap3A_61], %add3A_60 {strides = array<i32>} : memref<256x768xf32, #tpu.memory_space<vmem>>, vector<256x768xf32>,
    return
  }
  func.func @transform_0(%arg0: i32, %arg1: memref<80xi32, #tpu.memory_space<smem>>) -> (i32, i32) {
    %c0_i32 = arith.constant 0 : i32
    %c0_i32_0 = arith.constant 0 : i32
    return %arg0, %c0_i32 : i32, i32
  }
  func.func @transform_1(%arg0: i32, %arg1: memref<80xi32, #tpu.memory_space<smem>>) -> (i32, i32, i32) {
    %c0_i32 = arith.constant 0 : i32
    %c0_i32_0 = arith.constant 0 : i32
    %c0_i32_1 = arith.constant 0 : i32
    %c0_i32_2 = arith.constant 0 : i32
    return %c0_i32, %c0_i32_0, %c0_i32_1 : i32, i32, i32
  }
  func.func @transform_2(%arg0: i32, %arg1: memref<80xi32, #tpu.memory_space<smem>>) -> (i32, i32, i32) {
    %c0_i32 = arith.constant 0 : i32
    %c0_i32_0 = arith.constant 0 : i32
    %c0_i32_1 = arith.constant 0 : i32
    %c0_i32_2 = arith.constant 0 : i32
    return %c0_i32, %c0_i32_0, %c0_i32_1 : i32, i32, i32
  }
  func.func @transform_3(%arg0: i32, %arg1: memref<80xi32, #tpu.memory_space<smem>>) -> (i32, i32, i32) {
    %c0_i32 = arith.constant 0 : i32
    %c0_i32_0 = arith.constant 0 : i32
    %c0_i32_1 = arith.constant 0 : i32
    %c0_i32_2 = arith.constant 0 : i32
    return %c0_i32, %c0_i32_0, %c0_i32_1 : i32, i32, i32
  }
  func.func @transform_4(%arg0: i32, %arg1: memref<80xi32, #tpu.memory_space<smem>>) -> (i32, i32, i32) {
    %c0_i32 = arith.constant 0 : i32
    %c0_i32_0 = arith.constant 0 : i32
    %c0_i32_1 = arith.constant 0 : i32
    %c0_i32_2 = arith.constant 0 : i32
    return %c0_i32, %c0_i32_0, %c0_i32_1 : i32, i32, i32
  }
  func.func @transform_5(%arg0: i32, %arg1: memref<80xi32, #tpu.memory_space<smem>>) -> (i32, i32) {
    %c0_i32 = arith.constant 0 : i32
    %c0_i32_0 = arith.constant 0 : i32
    return %arg0, %c0_i32 : i32, i32
  }
}

</mosaic_0001>

<sc_bundles>
// kernel: kernel.6.cloned.1.call-start
scs
__scs_entry_jumppad:
0x0: {  	(pc) =	sbr.rel $0x88, $3  }
0x1: {  	(tag) =	ssettag $0x0;
	lr =	simm.s32 $0x1  }
0x2: {  	[smem:$0x3F9A] =	sst lr;
	_ =	strace $0xD0000000  }
0x3: {  	_ = 	snop  }
0x4: {  	_ = 	snop  }
0x5: {  	_ = 	snop  }
0x6: {  	_ = 	snop  }
0x7: {  	_ = 	snop  }
__scs_overlays_trampoline_lowered:
0x8: {  	[smem:$0x3FA9] =	sst s0  }
0x9: {  	[smem:$0x3FAA] =	sst s1  }
0xa: {  	[smem:$0x3FAB] =	sst s2  }
0xb: {  	[smem:$0x3FAC] =	sst s3  }
0xc: {  	[smem:$0x3FAD] =	sst s4  }
0xd: {  	[smem:$0x3FAE] =	sst s5  }
0xe: {  	[smem:$0x3FAF] =	sst s6  }
0xf: {  	[smem:$0x3FB0] =	sst s7  }
0x10: {  	[smem:$0x3FB1] =	sst s8  }
0x11: {  	[smem:$0x3FB2] =	sst s9;
	s0 =	simm.s32 @!p0 $0x0  }
0x12: {  	s1 =	sld [smem:$0x3F98];
	s0 =	simm.s32 @p0 $0x1  }
0x13: {  	[smem:$0x3FB3] =	sst s0;
	s0 =	simm.s32 @!p1 $0x0  }
0x14: {  	s2 =	sld [smem:$0x3F97];
	s0 =	simm.s32 @p1 $0x1  }
0x15: {  	[smem:$0x3FB4] =	sst s0;
	s0 =	simm.s32 @!p2 $0x0  }
0x16: {  	s3 =	sld [smem:$0x3FDB];
	s0 =	simm.s32 @p2 $0x1  }
0x17: {  	s4 =	simm.s32 $0x1BF5;
	[smem:$0x3FB6] =	sst s0  }
0x18: {  	s0 =	sld [smem:$0x3F99];
	_ =	swait.ge [sflag:s4], $0x0  }
0x19: {  	s7 =	sld [smem:$0x3F9A]  }
0x1a: {  	s8 =	sadd.s32 $0xFFFFE003, lr  }
0x1b: {  	s9 =	sadd.s32 $0xFFFFFEF7, lr;
	s5 =	simm.s32 $0xFFFFFFFF;
	p2 =	slt.u32 s8, $0xFFFFF086  }
0x1c: {  	p1 =	slt.u32 s9, $0xF7A;
	s5 =	simm.s32 @!p2 $0x0  }
0x1d: {  	s5 =	simm.s32 @p1 $0x1;
	p0 =	seq.s32 s7, s2  }
0x1e: {  	s7 =	smul.u32 @!p0 $0xF7A, s2;
	p2 =	seq.s32 @!p0 s5, $0x0  }
0x1f: {  	s9 =	smul.u32 $0xF7A, s1;
	s8 =	simm.s32 @!p0 $0x1BF5;
	p2 =	por !p2, p0  }
0x20: {  	[sflag:s8] =	ssyncset.s32 @!p0 $0xFFFFF086;
	s6 =	sadd.s32 @!p0 s3, s7;
	s7 =	simm.s32 @!p0 $0x108  }
0x21: {  	s3 =	sadd.s32 s3, s9;
	s6 =	sadd.s32 @!p0 $0x88, s6;
	s7 =	simm.s32 @p2 $0x1082  }
0x22: {  	[simem:s7], [sflag:s8] =	dma.local @!p0 [hbm:s6], $0xF7A  }
0x23: {  	s9 =	sor.u32 $0xD0000000, s2;
	s6 =	simm.s32 $0x108;
	_ =	swait.ge @!p0 [sflag:s8], $0x0  }
0x24: {  	s3 =	sadd.s32 $0x88, s3;
	s6 =	simm.s32 @!p1 $0x1082;
	[sflag:s4] =	ssyncset.s32 $0xFFFFF086  }
0x25: {  	[simem:s6], [sflag:s4] =	dma.local [hbm:s3], $0xF7A  }
0x26: {  	[smem:$0x3F9A] =	sst s1;
	(tag) =	ssettag s2;
	_ =	strace s9  }
0x27: {  	s1 =	sld [smem:$0x3FAA]  }
0x28: {  	s2 =	sld [smem:$0x3FAB]  }
0x29: {  	s4 =	sld [smem:$0x3FAD]  }
0x2a: {  	p0 =	seq.s32 s5, $0x0;
	s5 =	sld [smem:$0x3FAE]  }
0x2b: {  	s6 =	sld [smem:$0x3FAF]  }
0x2c: {  	s7 =	sld [smem:$0x3FB0]  }
0x2d: {  	s3 =	simm.s32 $0x108;
	s8 =	sld [smem:$0x3FB1]  }
0x2e: {  	s3 =	simm.s32 @!p0 $0x1082;
	s9 =	sld [smem:$0x3FB2]  }
0x2f: {  	lr =	sadd.s32 s0, s3;
	s0 =	sld [smem:$0x3FA9]  }
0x30: {  	s3 =	sld [smem:$0x3FAC]  }
0x31: {  	[smem:$0x3FB5] =	sst s10  }
0x32: {  	s10 =	sld [smem:$0x3FB3];
	_ =	sdelay $0x3  }
0x33: {  	p0 =	seq.s32 s10, $0x1;
	s10 =	sld [smem:$0x3FB5];
	_ =	sdelay $0x3  }
0x34: {  	[smem:$0x3FB5] =	sst s10  }
0x35: {  	s10 =	sld [smem:$0x3FB4];
	_ =	sdelay $0x3  }
0x36: {  	p1 =	seq.s32 s10, $0x1;
	s10 =	sld [smem:$0x3FB5];
	_ =	sdelay $0x3  }
0x37: {  	[smem:$0x3FB5] =	sst s10  }
0x38: {  	s10 =	sld [smem:$0x3FB6]  }
0x39: {  	_ = 	snop;
	(pc) =	sbr.ind lr, $3  }
0x3a: {  	_ = 	snop  }
0x3b: {  	_ = 	snop  }
0x3c: {  	p2 =	seq.s32 s10, $0x1;
	s10 =	sld [smem:$0x3FB5]  }
0x3d: {  	_ =	shalt  }
0x3e: {  	_ =	shalt  }
0x3f: {  	_ =	shalt  }
0x40: {  	_ =	shalt  }
0x41: {  	_ =	shalt  }
0x42: {  	_ =	shalt  }
0x43: {  	_ =	shalt  }
0x44: {  	_ =	shalt  }
0x45: {  	_ =	shalt  }
0x46: {  	_ =	shalt  }
0x47: {  	_ =	shalt  }
0x48: {  	_ =	shalt  }
0x49: {  	_ =	shalt  }
0x4a: {  	_ =	shalt  }
0x4b: {  	_ =	shalt  }
0x4c: {  	_ =	shalt  }
0x4d: {  	_ =	shalt  }
0x4e: {  	_ =	shalt  }
0x4f: {  	_ =	shalt  }
0x50: {  	_ =	shalt  }
0x51: {  	_ =	shalt  }
0x52: {  	_ =	shalt  }
0x53: {  	_ =	shalt  }
0x54: {  	_ =	shalt  }
0x55: {  	_ =	shalt  }
0x56: {  	_ =	shalt  }
0x57: {  	_ =	shalt  }
0x58: {  	_ =	shalt  }
0x59: {  	_ =	shalt  }
0x5a: {  	_ =	shalt  }
0x5b: {  	_ =	shalt  }
0x5c: {  	_ =	shalt  }
0x5d: {  	_ =	shalt  }
0x5e: {  	_ =	shalt  }
0x5f: {  	_ =	shalt  }
0x60: {  	_ =	shalt  }
0x61: {  	_ =	shalt  }
0x62: {  	_ =	shalt  }
0x63: {  	_ =	shalt  }
0x64: {  	_ =	shalt  }
0x65: {  	_ =	shalt  }
0x66: {  	_ =	shalt  }
0x67: {  	_ =	shalt  }
0x68: {  	_ =	shalt  }
0x69: {  	_ =	shalt  }
0x6a: {  	_ =	shalt  }
0x6b: {  	_ =	shalt  }
0x6c: {  	_ =	shalt  }
0x6d: {  	_ =	shalt  }
0x6e: {  	_ =	shalt  }
0x6f: {  	_ =	shalt  }
0x70: {  	_ =	shalt  }
0x71: {  	_ =	shalt  }
0x72: {  	_ =	shalt  }
0x73: {  	_ =	shalt  }
0x74: {  	_ =	shalt  }
0x75: {  	_ =	shalt  }
0x76: {  	_ =	shalt  }
0x77: {  	_ =	shalt  }
0x78: {  	_ =	shalt  }
0x79: {  	_ =	shalt  }
0x7a: {  	_ =	shalt  }
0x7b: {  	_ =	shalt  }
0x7c: {  	_ =	shalt  }
0x7d: {  	_ =	shalt  }
0x7e: {  	_ =	shalt  }
0x7f: {  	_ =	shalt  }
0x80: {  	_ =	shalt  }
0x81: {  	_ =	shalt  }
0x82: {  	_ =	shalt  }
0x83: {  	_ =	shalt  }
0x84: {  	_ =	shalt  }
0x85: {  	_ =	shalt  }
0x86: {  	_ =	shalt  }
0x87: {  	_ =	shalt  }
.Lfunc_end0:
.L_simem_size_0:
called_computation_lowered:
.L_overlay_start_0:
0x88: {  	s2 =	sld [smem:$0x3FD9]  }
0x89: {  	s3 =	sld [smem:$0x3FFE];
	_ =	sdelay $0x1  }
0x8a: {  	s1 =	srdreg.scid  }
0x8b: {  	s0 =	sand.u32 $0x1, s1  }
0x8c: {  	s17 =	sshll.u32 s0, $0xA;
	s2 =	sadd.s32 s3, s2  }
0x8d: {  	s2 =	sadd.s32 s2, s17  }
0x8e: {  	[smem:$0x3FC1] =	sst s2  }
0x8f: {  	_ = 	snop  }
0x90: {  	s2 =	sld [smem:$0x3FD0];
	(tm) =	ssettm $0x1  }
0x91: {  	s18 =	sld [smem:$0x3FFB];
	_ =	sdelay $0x3  }
0x92: {  	_ =	strace s18  }
0x93: {  	s3 =	sld [smem:$0x3FFC];
	_ =	sdelay $0x3  }
0x94: {  	_ =	strace s3  }
0x95: {  	s3 =	sld [smem:$0x3FFD];
	_ =	sdelay $0x3  }
0x96: {  	_ =	strace s3  }
0x97: {  	_ =	strace $0x8FFFFFFF  }
0x98: {  	s19 =	sld [smem:$0x3FDB];
	_ =	sdelay $0x1  }
0x99: {  	s4 =	simm.s32 $_scs_section_size  }
0x9a: {  	s5 =	simm.s32 $_size__tile_overlayer_lowered;
	s6 =	simm.s32 $_tile_overlayer_lowered  }
0x9b: {  	s22 =	simm.s32 $0x1BFF;
	s21 =	sshll.u32 s6, $0x1;
	s3 =	sadd.s32 s4, s19  }
0x9c: {  	s7 =	simm.s32 $0x0;
	s20 =	sshll.u32 s5, $0x1;
	s5 =	sadd.s32 s21, s3  }
0x9d: {  	[timem:s7], [sflag:s22] =	dma.local [hbm:s5], s20  }
0x9e: {  	_ =	swait.ge [sflag:s22], s20  }
0x9f: {  	s4 =	ssub.s32 $0x0, s20;
	[sflag:s22] =	ssyncset.done $0x0  }
0xa0: {  	[sflag:s22] =	ssyncadd.s32 s4;
	_ =	sdelay $0x1  }
0xa1: {  	s23 =	simm.s32 $0x1B8B  }
0xa2: {  	_ =	swait.ge [sflag:s23], $0x1  }
0xa3: {  	[sflag:s23] =	ssyncset.done $0x0  }
0xa4: {  	s25 =	simm.s32 $0x1B8E;
	s24 =	sld [smem:$0x3FFE];
	[sflag:s23] =	ssyncadd.s32 $0xFFFFFFFF  }
0xa5: {  	s26 =	simm.s32 $execute0_lowered;
	[smem:$0x3FD2] =	sst s25  }
0xa6: {  	s5 =	sshll.u32 s26, $0x1;
	_ =	strace $0x80000046;
	[dreg:$0x1] =	wrdreg $0xFFFFFFFF  }
0xa7: {  	s28 =	simm.s32 $_size_execute0_lowered;
	s3 =	sadd.s32 s3, s5;
	[dreg:$0x0] =	wrdreg $0x0  }
0xa8: {  	s5 =	sshll.u32 s28, $0x1;
	[dreg:$0x2] =	wrdreg s3  }
0xa9: {  	[dreg:$0x3] =	wrdreg s5  }
0xaa: {  	[dreg:$0x4] =	wrdreg $0xC0  }
0xab: {  	_ =	task [dreg:s7], $0x5FFFF  }
0xac: {  	[dreg:$0x1] =	wrdreg $0xFFFFFFFF  }
0xad: {  	[dreg:$0x0] =	wrdreg $0x60  }
0xae: {  	[dreg:$0x2] =	wrdreg s24  }
0xaf: {  	[dreg:$0x3] =	wrdreg s2  }
0xb0: {  	[dreg:$0x4] =	wrdreg $0x9  }
0xb1: {  	_ =	task.clear_ibuf [dreg:s7], $0x5FFFF;
	_ =	strace $0x90000046  }
0xb2: {  	s29 =	simm.s32 $0x9;
	_ =	strace $0x80000048  }
0xb3: {  	_ =	swait.ge [sflag:s29], $0x1  }
0xb4: {  	[sflag:s29] =	ssyncadd.s32 $0xFFFFFFFF  }
0xb5: {  	_ =	strace $0x90000048  }
0xb6: {  	_ =	sfence  }
0xb7: {  	s30 =	sld [smem:$0x0];
	_ =	sdelay $0x2  }
0xb8: {  	s31 =	sshll.u32 s1, $0xD;
	s1 =	sshrl.u32 s1, $0x2  }
0xb9: {  	s3 =	sand.u32 $0x4000, s31;
	s1 =	sadd.s32 s1, s30  }
0xba: {  	s0 =	sor.u32 s3, s0;
	s1 =	sshll.u32 s1, $0x11  }
0xbb: {  	s0 =	sor.u32 s1, s0  }
0xbc: {  	s0 =	sadd.s32 $0x8F2B, s0  }
0xbd: {  	[sflag:s0] =	ssyncadd.remote.s32 $0x1  }
0xbe: {  	_ =	sfence.sel $0xFFFF  }
0xbf: {  	[dreg:$0x0] =	wrdreg $0xFFFFFFFF;
	(pc) =	sbr.abs _section_cstart, $3  }
0xc0: {  	[dreg:$0x1] =	wrdreg $0xFFFFFFFF  }
0xc1: {  	_ =	task.clear_ibuf [dreg:s7], $0x2FFFF;
	_ =	strace $0x9FFFFFFF  }
0xc2: {  	(tm) =	ssettm $0x7FFFFFFF  }
0xc3: {  	_ =	shalt  }
tec
execute0_lowered:
.L_overlay_start_1:
0x0: {  	(tag) =	ssettag $0x1  }
0x1: {  	s0 =	rddreg [dreg:$0x0]  }
0x2: {  	s2 =	rddreg [dreg:$0x1]  }
0x3: {  	s1 =	srdreg.scid;
	s3 =	simm.s32 $0x0;
	s4 =	stileid.u32  }
0x4: {  	s14 =	simm.s32 $0x1;
	s1 =	sand.u32 $0x1, s1;
	[smem:$0x7FF] =	sst s3  }
0x5: {  	s4 =	sshll.u32 s4, $0xA;
	s18 =	sadd.s32 $0x800, s0;
	s5 =	sshll.u32 s1, $0x9  }
0x6: {  	_ =	strace $0x80000047;
	s1 =	ssub.s32 $0x2, s1;
	s4 =	sor.u32 s5, s4  }
0x7: {  	s6 =	sshrl.u32 s1, $0x1;
	s7 =	sshrl.u32 s4, $0x3;
	s8 =	sshll.u32 s4, $0x6  }
0x8: {  	s9 =	sor.u32 $0x80, s4;
	s24 =	sor.u32 $0x100, s4;
	s1 =	ssub.s32 s1, s6  }
0x9: {  	s4 =	sor.u32 $0x180, s4;
	s7 =	sadd.s32 s0, s7;
	s19 =	sadd.s32 s18, s8  }
0xa: {  	s20 =	sshrl.u32 s9, $0x3;
	s22 =	sshll.u32 s9, $0x6;
	[dreg:$0x3] =	wrdreg s7  }
0xb: {  	s25 =	sshrl.u32 s24, $0x3;
	[dreg:$0x4] =	wrdreg s19;
	s21 =	sadd.s32 s0, s20  }
0xc: {  	s26 =	sshll.u32 s24, $0x6;
	s23 =	sadd.s32 s18, s22;
	[dreg:$0x5] =	wrdreg s21  }
0xd: {  	s29 =	sshrl.u32 s4, $0x3;
	s6 =	sadd.s32 s0, s25;
	[dreg:$0x6] =	wrdreg s23  }
0xe: {  	s30 =	sshll.u32 s4, $0x6;
	s28 =	sadd.s32 s18, s26;
	[dreg:$0x7] =	wrdreg s6  }
0xf: {  	v2 =	vlaneseq.u32;
	s4 =	sadd.s32 $0x100, s2;
	s0 =	sadd.s32 s0, s29;
	[dreg:$0x8] =	wrdreg s28  }
0x10: {  	vm0 =	vmmov $0xffff;
	v1 =	vshrl.u32 v2, $0x3;
	s5 =	smax.u32 s1, $0x1;
	s31 =	sadd.s32 s18, s30;
	[dreg:$0x9] =	wrdreg s0  }
0x11: {  	v0 =	vand.u32 $0x7, v2;
	v2 =	vor.u32 $0x8, v2;
	v1 =	vmul.u32 $0x8, v1;
	s25 =	simm.s32 $0x80;
	[dreg:$0xa] =	wrdreg s31;
	s6 =	simm.s32 $0x2  }
.LBB2_1:
0x12: {  	s15 =	rddreg [dreg:$0x3]  }
0x13: {  	[tilespmem:s3], [sflag:$0x2] =	stream.linear.gather [hbm4b:s15+s3], $0x80, $0x38;
	[tilespmem:$0x10080] =	vst v63  }
0x14: {  	_ =	swait.ge [sflag:s6], $0x80  }
0x15: {  	[sflag:s6] =	ssyncset.done $0x0  }
0x16: {  	s1 =	rddreg [dreg:$0x4];
	[sflag:s6] =	ssyncadd.s32 $0xFFFFFF80  }
0x17: {  	[tilespmem:s25], [sflag:$0x2] =	stream.linear.gather [hbm4b:s1+s3], $0x10000, $0x38;
	[tilespmem:$0x10080] =	vst v63  }
0x18: {  	_ =	swait.ge [sflag:s6], $0x10000  }
0x19: {  	[sflag:s6] =	ssyncset.done $0x0  }
0x1a: {  	[sflag:s6] =	ssyncadd.s32 $0xFFFF0000  }
0x1b: {  	v3 =	vld [tilespmem:$0x0];
	_ =	sdelay $0x4  }
0x1c: {  	v4 =	vshll.u32 v3, $0x2  }
0x1d: {  	v3 =	vand.u32 $0x7, v3;
	v4 =	vand.u32 $0xFFFFFFE0, v4  }
0x1e: {  	v3 =	vor.u32 v3, v4  }
0x1f: {  	v4 =	vperm.xlane v3, v0;
	_ =	sdelay $0x1  }
0x20: {  	v4 =	vadd.s32 v1, v4;
	_ =	sdelay $0x1  }
0x21: {  	v3 =	vperm.xlane v3, v2;
	_ =	sdelay $0x1  }
0x22: {  	v3 =	vadd.s32 v1, v3  }
0x23: {  	[hbm4b:s2+s3] =	stream.indirect_vreg.scatter [tilespmem:s25], [sflag:$0x1], $0x80, v4, vm0, $0xb8;
	[tilespmem:$0x10080] =	vst v63  }
0x24: {  	s0 =	simm.s32 $0x880  }
0x25: {  	[hbm4b:s4+s3] =	stream.indirect_vreg.scatter [tilespmem:s0], [sflag:$0x1], $0x80, v4, vm0, $0xb8;
	[tilespmem:$0x10080] =	vst v63  }
0x26: {  	s7 =	simm.s32 $0x1080  }
0x27: {  	[hbm4b:s2+s3] =	stream.indirect_vreg.scatter [tilespmem:s7], [sflag:$0x1], $0x80, v3, vm0, $0xb8;
	[tilespmem:$0x10080] =	vst v63  }
0x28: {  	s8 =	simm.s32 $0x1880  }
0x29: {  	[hbm4b:s4+s3] =	stream.indirect_vreg.scatter [tilespmem:s8], [sflag:$0x1], $0x80, v3, vm0, $0xb8;
	[tilespmem:$0x10080] =	vst v63  }
0x2a: {  	v3 =	vld [tilespmem:$0x10];
	_ =	sdelay $0x4  }
0x2b: {  	v33 =	vshll.u32 v3, $0x2  }
0x2c: {  	v3 =	vand.u32 $0x7, v3;
	v4 =	vand.u32 $0xFFFFFFE0, v33  }
0x2d: {  	v3 =	vor.u32 v3, v4  }
0x2e: {  	v4 =	vperm.xlane v3, v0;
	_ =	sdelay $0x1  }
0x2f: {  	v4 =	vadd.s32 v1, v4;
	_ =	sdelay $0x1  }
0x30: {  	v3 =	vperm.xlane v3, v2;
	_ =	sdelay $0x1  }
0x31: {  	s9 =	simm.s32 $0x2080;
	v3 =	vadd.s32 v1, v3  }
0x32: {  	[hbm4b:s2+s3] =	stream.indirect_vreg.scatter [tilespmem:s9], [sflag:$0x1], $0x80, v4, vm0, $0xb8;
	[tilespmem:$0x10080] =	vst v63  }
0x33: {  	s10 =	simm.s32 $0x2880  }
0x34: {  	[hbm4b:s4+s3] =	stream.indirect_vreg.scatter [tilespmem:s10], [sflag:$0x1], $0x80, v4, vm0, $0xb8;
	[tilespmem:$0x10080] =	vst v63  }
0x35: {  	s11 =	simm.s32 $0x3080  }
0x36: {  	[hbm4b:s2+s3] =	stream.indirect_vreg.scatter [tilespmem:s11], [sflag:$0x1], $0x80, v3, vm0, $0xb8;
	[tilespmem:$0x10080] =	vst v63  }
0x37: {  	s12 =	simm.s32 $0x3880  }
0x38: {  	[hbm4b:s4+s3] =	stream.indirect_vreg.scatter [tilespmem:s12], [sflag:$0x1], $0x80, v3, vm0, $0xb8;
	[tilespmem:$0x10080] =	vst v63  }
0x39: {  	v3 =	vld [tilespmem:$0x20];
	_ =	sdelay $0x4  }
0x3a: {  	v34 =	vshll.u32 v3, $0x2  }
0x3b: {  	v3 =	vand.u32 $0x7, v3;
	v4 =	vand.u32 $0xFFFFFFE0, v34  }
0x3c: {  	v3 =	vor.u32 v3, v4  }
0x3d: {  	v4 =	vperm.xlane v3, v0;
	_ =	sdelay $0x1  }
0x3e: {  	v4 =	vadd.s32 v1, v4;
	_ =	sdelay $0x1  }
0x3f: {  	v3 =	vperm.xlane v3, v2;
	_ =	sdelay $0x1  }
0x40: {  	s13 =	simm.s32 $0x4080;
	v3 =	vadd.s32 v1, v3  }
0x41: {  	[hbm4b:s2+s3] =	stream.indirect_vreg.scatter [tilespmem:s13], [sflag:$0x1], $0x80, v4, vm0, $0xb8;
	[tilespmem:$0x10080] =	vst v63  }
0x42: {  	s15 =	simm.s32 $0x4880  }
0x43: {  	[hbm4b:s4+s3] =	stream.indirect_vreg.scatter [tilespmem:s15], [sflag:$0x1], $0x80, v4, vm0, $0xb8;
	[tilespmem:$0x10080] =	vst v63  }
0x44: {  	s16 =	simm.s32 $0x5080  }
0x45: {  	[hbm4b:s2+s3] =	stream.indirect_vreg.scatter [tilespmem:s16], [sflag:$0x1], $0x80, v3, vm0, $0xb8;
	[tilespmem:$0x10080] =	vst v63  }
0x46: {  	s17 =	simm.s32 $0x5880  }
0x47: {  	[hbm4b:s4+s3] =	stream.indirect_vreg.scatter [tilespmem:s17], [sflag:$0x1], $0x80, v3, vm0, $0xb8;
	[tilespmem:$0x10080] =	vst v63  }
0x48: {  	v3 =	vld [tilespmem:$0x30];
	_ =	sdelay $0x4  }
0x49: {  	v35 =	vshll.u32 v3, $0x2  }
0x4a: {  	v3 =	vand.u32 $0x7, v3;
	v4 =	vand.u32 $0xFFFFFFE0, v35  }
0x4b: {  	v3 =	vor.u32 v3, v4  }
0x4c: {  	v4 =	vperm.xlane v3, v0;
	_ =	sdelay $0x1  }
0x4d: {  	v4 =	vadd.s32 v1, v4;
	_ =	sdelay $0x1  }
0x4e: {  	v3 =	vperm.xlane v3, v2;
	_ =	sdelay $0x1  }
0x4f: {  	s18 =	simm.s32 $0x6080;
	v3 =	vadd.s32 v1, v3  }
0x50: {  	[hbm4b:s2+s3] =	stream.indirect_vreg.scatter [tilespmem:s18], [sflag:$0x1], $0x80, v4, vm0, $0xb8;
	[tilespmem:$0x10080] =	vst v63  }
0x51: {  	s19 =	simm.s32 $0x6880  }
0x52: {  	[hbm4b:s4+s3] =	stream.indirect_vreg.scatter [tilespmem:s19], [sflag:$0x1], $0x80, v4, vm0, $0xb8;
	[tilespmem:$0x10080] =	vst v63  }
0x53: {  	s20 =	simm.s32 $0x7080  }
0x54: {  	[hbm4b:s2+s3] =	stream.indirect_vreg.scatter [tilespmem:s20], [sflag:$0x1], $0x80, v3, vm0, $0xb8;
	[tilespmem:$0x10080] =	vst v63  }
0x55: {  	s21 =	simm.s32 $0x7880  }
0x56: {  	[hbm4b:s4+s3] =	stream.indirect_vreg.scatter [tilespmem:s21], [sflag:$0x1], $0x80, v3, vm0, $0xb8;
	[tilespmem:$0x10080] =	vst v63  }
0x57: {  	v3 =	vld [tilespmem:$0x40];
	_ =	sdelay $0x4  }
0x58: {  	v36 =	vshll.u32 v3, $0x2  }
0x59: {  	v3 =	vand.u32 $0x7, v3;
	v4 =	vand.u32 $0xFFFFFFE0, v36  }
0x5a: {  	v3 =	vor.u32 v3, v4  }
0x5b: {  	v4 =	vperm.xlane v3, v0;
	_ =	sdelay $0x1  }
0x5c: {  	v4 =	vadd.s32 v1, v4;
	_ =	sdelay $0x1  }
0x5d: {  	v3 =	vperm.xlane v3, v2;
	_ =	sdelay $0x1  }
0x5e: {  	s22 =	simm.s32 $0x8080;
	v3 =	vadd.s32 v1, v3  }
0x5f: {  	[hbm4b:s2+s3] =	stream.indirect_vreg.scatter [tilespmem:s22], [sflag:$0x1], $0x80, v4, vm0, $0xb8;
	[tilespmem:$0x10080] =	vst v63  }
0x60: {  	s23 =	simm.s32 $0x8880  }
0x61: {  	[hbm4b:s4+s3] =	stream.indirect_vreg.scatter [tilespmem:s23], [sflag:$0x1], $0x80, v4, vm0, $0xb8;
	[tilespmem:$0x10080] =	vst v63  }
0x62: {  	s24 =	simm.s32 $0x9080  }
0x63: {  	[hbm4b:s2+s3] =	stream.indirect_vreg.scatter [tilespmem:s24], [sflag:$0x1], $0x80, v3, vm0, $0xb8;
	[tilespmem:$0x10080] =	vst v63  }
0x64: {  	s26 =	simm.s32 $0x9880  }
0x65: {  	[hbm4b:s4+s3] =	stream.indirect_vreg.scatter [tilespmem:s26], [sflag:$0x1], $0x80, v3, vm0, $0xb8;
	[tilespmem:$0x10080] =	vst v63  }
0x66: {  	v3 =	vld [tilespmem:$0x50];
	_ =	sdelay $0x4  }
0x67: {  	v37 =	vshll.u32 v3, $0x2  }
0x68: {  	v3 =	vand.u32 $0x7, v3;
	v4 =	vand.u32 $0xFFFFFFE0, v37  }
0x69: {  	v3 =	vor.u32 v3, v4  }
0x6a: {  	v4 =	vperm.xlane v3, v0;
	_ =	sdelay $0x1  }
0x6b: {  	v4 =	vadd.s32 v1, v4;
	_ =	sdelay $0x1  }
0x6c: {  	v3 =	vperm.xlane v3, v2;
	_ =	sdelay $0x1  }
0x6d: {  	s28 =	simm.s32 $0xA080;
	v3 =	vadd.s32 v1, v3  }
0x6e: {  	[hbm4b:s2+s3] =	stream.indirect_vreg.scatter [tilespmem:s28], [sflag:$0x1], $0x80, v4, vm0, $0xb8;
	[tilespmem:$0x10080] =	vst v63  }
0x6f: {  	s29 =	simm.s32 $0xA880  }
0x70: {  	[hbm4b:s4+s3] =	stream.indirect_vreg.scatter [tilespmem:s29], [sflag:$0x1], $0x80, v4, vm0, $0xb8;
	[tilespmem:$0x10080] =	vst v63  }
0x71: {  	s30 =	simm.s32 $0xB080  }
0x72: {  	[hbm4b:s2+s3] =	stream.indirect_vreg.scatter [tilespmem:s30], [sflag:$0x1], $0x80, v3, vm0, $0xb8;
	[tilespmem:$0x10080] =	vst v63  }
0x73: {  	s31 =	simm.s32 $0xB880  }
0x74: {  	[hbm4b:s4+s3] =	stream.indirect_vreg.scatter [tilespmem:s31], [sflag:$0x1], $0x80, v3, vm0, $0xb8;
	[tilespmem:$0x10080] =	vst v63  }
0x75: {  	v3 =	vld [tilespmem:$0x60];
	_ =	sdelay $0x4  }
0x76: {  	v38 =	vshll.u32 v3, $0x2  }
0x77: {  	v3 =	vand.u32 $0x7, v3;
	v4 =	vand.u32 $0xFFFFFFE0, v38  }
0x78: {  	v3 =	vor.u32 v3, v4  }
0x79: {  	v4 =	vperm.xlane v3, v0;
	_ =	sdelay $0x1  }
0x7a: {  	v4 =	vadd.s32 v1, v4;
	_ =	sdelay $0x1  }
0x7b: {  	v3 =	vperm.xlane v3, v2;
	_ =	sdelay $0x1  }
0x7c: {  	s0 =	simm.s32 $0xC080;
	v3 =	vadd.s32 v1, v3  }
0x7d: {  	[hbm4b:s2+s3] =	stream.indirect_vreg.scatter [tilespmem:s0], [sflag:$0x1], $0x80, v4, vm0, $0xb8;
	[tilespmem:$0x10080] =	vst v63  }
0x7e: {  	s13 =	simm.s32 $0xC880  }
0x7f: {  	[hbm4b:s4+s3] =	stream.indirect_vreg.scatter [tilespmem:s13], [sflag:$0x1], $0x80, v4, vm0, $0xb8;
	[tilespmem:$0x10080] =	vst v63  }
0x80: {  	s16 =	simm.s32 $0xD080  }
0x81: {  	[hbm4b:s2+s3] =	stream.indirect_vreg.scatter [tilespmem:s16], [sflag:$0x1], $0x80, v3, vm0, $0xb8;
	[tilespmem:$0x10080] =	vst v63  }
0x82: {  	s17 =	simm.s32 $0xD880  }
0x83: {  	[hbm4b:s4+s3] =	stream.indirect_vreg.scatter [tilespmem:s17], [sflag:$0x1], $0x80, v3, vm0, $0xb8;
	[tilespmem:$0x10080] =	vst v63  }
0x84: {  	v3 =	vld [tilespmem:$0x70];
	_ =	sdelay $0x4  }
0x85: {  	v39 =	vshll.u32 v3, $0x2  }
0x86: {  	v3 =	vand.u32 $0x7, v3;
	v4 =	vand.u32 $0xFFFFFFE0, v39  }
0x87: {  	v3 =	vor.u32 v3, v4  }
0x88: {  	v4 =	vperm.xlane v3, v0;
	_ =	sdelay $0x1  }
0x89: {  	v4 =	vadd.s32 v1, v4;
	_ =	sdelay $0x1  }
0x8a: {  	v3 =	vperm.xlane v3, v2;
	_ =	sdelay $0x1  }
0x8b: {  	s18 =	simm.s32 $0xE080;
	v3 =	vadd.s32 v1, v3  }
0x8c: {  	[hbm4b:s2+s3] =	stream.indirect_vreg.scatter [tilespmem:s18], [sflag:$0x1], $0x80, v4, vm0, $0xb8;
	[tilespmem:$0x10080] =	vst v63  }
0x8d: {  	s19 =	simm.s32 $0xE880  }
0x8e: {  	[hbm4b:s4+s3] =	stream.indirect_vreg.scatter [tilespmem:s19], [sflag:$0x1], $0x80, v4, vm0, $0xb8;
	[tilespmem:$0x10080] =	vst v63  }
0x8f: {  	s20 =	simm.s32 $0xF080  }
0x90: {  	[hbm4b:s2+s3] =	stream.indirect_vreg.scatter [tilespmem:s20], [sflag:$0x1], $0x80, v3, vm0, $0xb8;
	[tilespmem:$0x10080] =	vst v63  }
0x91: {  	s21 =	simm.s32 $0xF880  }
0x92: {  	[hbm4b:s4+s3] =	stream.indirect_vreg.scatter [tilespmem:s21], [sflag:$0x1], $0x80, v3, vm0, $0xb8;
	[tilespmem:$0x10080] =	vst v63  }
0x93: {  	_ =	swait.ge [sflag:s14], $0x10000  }
0x94: {  	[sflag:s14] =	ssyncset.done $0x0  }
0x95: {  	s24 =	rddreg [dreg:$0x5];
	[sflag:s14] =	ssyncadd.s32 $0xFFFF0000  }
0x96: {  	[tilespmem:s3], [sflag:$0x2] =	stream.linear.gather [hbm4b:s24+s3], $0x80, $0x38;
	[tilespmem:$0x10080] =	vst v63  }
0x97: {  	_ =	swait.ge [sflag:s6], $0x80  }
0x98: {  	[sflag:s6] =	ssyncset.done $0x0  }
0x99: {  	s26 =	rddreg [dreg:$0x6];
	[sflag:s6] =	ssyncadd.s32 $0xFFFFFF80  }
0x9a: {  	[tilespmem:s25], [sflag:$0x2] =	stream.linear.gather [hbm4b:s26+s3], $0x10000, $0x38;
	[tilespmem:$0x10080] =	vst v63  }
0x9b: {  	_ =	swait.ge [sflag:s6], $0x10000  }
0x9c: {  	[sflag:s6] =	ssyncset.done $0x0  }
0x9d: {  	[sflag:s6] =	ssyncadd.s32 $0xFFFF0000  }
0x9e: {  	v3 =	vld [tilespmem:$0x0];
	_ =	sdelay $0x4  }
0x9f: {  	v40 =	vshll.u32 v3, $0x2  }
0xa0: {  	v3 =	vand.u32 $0x7, v3;
	v4 =	vand.u32 $0xFFFFFFE0, v40  }
0xa1: {  	v3 =	vor.u32 v3, v4  }
0xa2: {  	v4 =	vperm.xlane v3, v0;
	_ =	sdelay $0x1  }
0xa3: {  	v4 =	vadd.s32 v1, v4;
	_ =	sdelay $0x1  }
0xa4: {  	v3 =	vperm.xlane v3, v2;
	_ =	sdelay $0x1  }
0xa5: {  	v3 =	vadd.s32 v1, v3  }
0xa6: {  	[hbm4b:s2+s3] =	stream.indirect_vreg.scatter [tilespmem:s25], [sflag:$0x1], $0x80, v4, vm0, $0xb8;
	[tilespmem:$0x10080] =	vst v63  }
0xa7: {  	s1 =	simm.s32 $0x880  }
0xa8: {  	[hbm4b:s4+s3] =	stream.indirect_vreg.scatter [tilespmem:s1], [sflag:$0x1], $0x80, v4, vm0, $0xb8;
	[tilespmem:$0x10080] =	vst v63  }
0xa9: {  	s7 =	simm.s32 $0x1080  }
0xaa: {  	[hbm4b:s2+s3] =	stream.indirect_vreg.scatter [tilespmem:s7], [sflag:$0x1], $0x80, v3, vm0, $0xb8;
	[tilespmem:$0x10080] =	vst v63  }
0xab: {  	s16 =	simm.s32 $0x1880  }
0xac: {  	[hbm4b:s4+s3] =	stream.indirect_vreg.scatter [tilespmem:s16], [sflag:$0x1], $0x80, v3, vm0, $0xb8;
	[tilespmem:$0x10080] =	vst v63  }
0xad: {  	v3 =	vld [tilespmem:$0x10];
	_ =	sdelay $0x4  }
0xae: {  	v41 =	vshll.u32 v3, $0x2  }
0xaf: {  	v3 =	vand.u32 $0x7, v3;
	v4 =	vand.u32 $0xFFFFFFE0, v41  }
0xb0: {  	v3 =	vor.u32 v3, v4  }
0xb1: {  	v4 =	vperm.xlane v3, v0;
	_ =	sdelay $0x1  }
0xb2: {  	v4 =	vadd.s32 v1, v4;
	_ =	sdelay $0x1  }
0xb3: {  	v3 =	vperm.xlane v3, v2;
	_ =	sdelay $0x1  }
0xb4: {  	s8 =	simm.s32 $0x2080;
	v3 =	vadd.s32 v1, v3  }
0xb5: {  	[hbm4b:s2+s3] =	stream.indirect_vreg.scatter [tilespmem:s8], [sflag:$0x1], $0x80, v4, vm0, $0xb8;
	[tilespmem:$0x10080] =	vst v63  }
0xb6: {  	s9 =	simm.s32 $0x2880  }
0xb7: {  	[hbm4b:s4+s3] =	stream.indirect_vreg.scatter [tilespmem:s9], [sflag:$0x1], $0x80, v4, vm0, $0xb8;
	[tilespmem:$0x10080] =	vst v63  }
0xb8: {  	s10 =	simm.s32 $0x3080  }
0xb9: {  	[hbm4b:s2+s3] =	stream.indirect_vreg.scatter [tilespmem:s10], [sflag:$0x1], $0x80, v3, vm0, $0xb8;
	[tilespmem:$0x10080] =	vst v63  }
0xba: {  	s12 =	simm.s32 $0x3880  }
0xbb: {  	[hbm4b:s4+s3] =	stream.indirect_vreg.scatter [tilespmem:s12], [sflag:$0x1], $0x80, v3, vm0, $0xb8;
	[tilespmem:$0x10080] =	vst v63  }
0xbc: {  	v3 =	vld [tilespmem:$0x20];
	_ =	sdelay $0x4  }
0xbd: {  	v42 =	vshll.u32 v3, $0x2  }
0xbe: {  	v3 =	vand.u32 $0x7, v3;
	v4 =	vand.u32 $0xFFFFFFE0, v42  }
0xbf: {  	v3 =	vor.u32 v3, v4  }
0xc0: {  	v4 =	vperm.xlane v3, v0;
	_ =	sdelay $0x1  }
0xc1: {  	v4 =	vadd.s32 v1, v4;
	_ =	sdelay $0x1  }
0xc2: {  	v3 =	vperm.xlane v3, v2;
	_ =	sdelay $0x1  }
0xc3: {  	s11 =	simm.s32 $0x4080;
	v3 =	vadd.s32 v1, v3  }
0xc4: {  	[hbm4b:s2+s3] =	stream.indirect_vreg.scatter [tilespmem:s11], [sflag:$0x1], $0x80, v4, vm0, $0xb8;
	[tilespmem:$0x10080] =	vst v63  }
0xc5: {  	s24 =	simm.s32 $0x4880  }
0xc6: {  	[hbm4b:s4+s3] =	stream.indirect_vreg.scatter [tilespmem:s24], [sflag:$0x1], $0x80, v4, vm0, $0xb8;
	[tilespmem:$0x10080] =	vst v63  }
0xc7: {  	s12 =	simm.s32 $0x5080  }
0xc8: {  	[hbm4b:s2+s3] =	stream.indirect_vreg.scatter [tilespmem:s12], [sflag:$0x1], $0x80, v3, vm0, $0xb8;
	[tilespmem:$0x10080] =	vst v63  }
0xc9: {  	s13 =	simm.s32 $0x5880  }
0xca: {  	[hbm4b:s4+s3] =	stream.indirect_vreg.scatter [tilespmem:s13], [sflag:$0x1], $0x80, v3, vm0, $0xb8;
	[tilespmem:$0x10080] =	vst v63  }
0xcb: {  	v3 =	vld [tilespmem:$0x30];
	_ =	sdelay $0x4  }
0xcc: {  	v43 =	vshll.u32 v3, $0x2  }
0xcd: {  	v3 =	vand.u32 $0x7, v3;
	v4 =	vand.u32 $0xFFFFFFE0, v43  }
0xce: {  	v3 =	vor.u32 v3, v4  }
0xcf: {  	v4 =	vperm.xlane v3, v0;
	_ =	sdelay $0x1  }
0xd0: {  	v4 =	vadd.s32 v1, v4;
	_ =	sdelay $0x1  }
0xd1: {  	v3 =	vperm.xlane v3, v2;
	_ =	sdelay $0x1  }
0xd2: {  	s17 =	simm.s32 $0x6080;
	v3 =	vadd.s32 v1, v3  }
0xd3: {  	[hbm4b:s2+s3] =	stream.indirect_vreg.scatter [tilespmem:s17], [sflag:$0x1], $0x80, v4, vm0, $0xb8;
	[tilespmem:$0x10080] =	vst v63  }
0xd4: {  	s18 =	simm.s32 $0x6880  }
0xd5: {  	[hbm4b:s4+s3] =	stream.indirect_vreg.scatter [tilespmem:s18], [sflag:$0x1], $0x80, v4, vm0, $0xb8;
	[tilespmem:$0x10080] =	vst v63  }
0xd6: {  	s19 =	simm.s32 $0x7080  }
0xd7: {  	[hbm4b:s2+s3] =	stream.indirect_vreg.scatter [tilespmem:s19], [sflag:$0x1], $0x80, v3, vm0, $0xb8;
	[tilespmem:$0x10080] =	vst v63  }
0xd8: {  	s20 =	simm.s32 $0x7880  }
0xd9: {  	[hbm4b:s4+s3] =	stream.indirect_vreg.scatter [tilespmem:s20], [sflag:$0x1], $0x80, v3, vm0, $0xb8;
	[tilespmem:$0x10080] =	vst v63  }
0xda: {  	v3 =	vld [tilespmem:$0x40];
	_ =	sdelay $0x4  }
0xdb: {  	v44 =	vshll.u32 v3, $0x2  }
0xdc: {  	v3 =	vand.u32 $0x7, v3;
	v4 =	vand.u32 $0xFFFFFFE0, v44  }
0xdd: {  	v3 =	vor.u32 v3, v4  }
0xde: {  	v4 =	vperm.xlane v3, v0;
	_ =	sdelay $0x1  }
0xdf: {  	v4 =	vadd.s32 v1, v4;
	_ =	sdelay $0x1  }
0xe0: {  	v3 =	vperm.xlane v3, v2;
	_ =	sdelay $0x1  }
0xe1: {  	s0 =	simm.s32 $0x8080;
	v3 =	vadd.s32 v1, v3  }
0xe2: {  	[hbm4b:s2+s3] =	stream.indirect_vreg.scatter [tilespmem:s0], [sflag:$0x1], $0x80, v4, vm0, $0xb8;
	[tilespmem:$0x10080] =	vst v63  }
0xe3: {  	s1 =	simm.s32 $0x8880  }
0xe4: {  	[hbm4b:s4+s3] =	stream.indirect_vreg.scatter [tilespmem:s1], [sflag:$0x1], $0x80, v4, vm0, $0xb8;
	[tilespmem:$0x10080] =	vst v63  }
0xe5: {  	s7 =	simm.s32 $0x9080  }
0xe6: {  	[hbm4b:s2+s3] =	stream.indirect_vreg.scatter [tilespmem:s7], [sflag:$0x1], $0x80, v3, vm0, $0xb8;
	[tilespmem:$0x10080] =	vst v63  }
0xe7: {  	s11 =	simm.s32 $0x9880  }
0xe8: {  	[hbm4b:s4+s3] =	stream.indirect_vreg.scatter [tilespmem:s11], [sflag:$0x1], $0x80, v3, vm0, $0xb8;
	[tilespmem:$0x10080] =	vst v63  }
0xe9: {  	v3 =	vld [tilespmem:$0x50];
	_ =	sdelay $0x4  }
0xea: {  	v45 =	vshll.u32 v3, $0x2  }
0xeb: {  	v3 =	vand.u32 $0x7, v3;
	v4 =	vand.u32 $0xFFFFFFE0, v45  }
0xec: {  	v3 =	vor.u32 v3, v4  }
0xed: {  	v4 =	vperm.xlane v3, v0;
	_ =	sdelay $0x1  }
0xee: {  	v4 =	vadd.s32 v1, v4;
	_ =	sdelay $0x1  }
0xef: {  	v3 =	vperm.xlane v3, v2;
	_ =	sdelay $0x1  }
0xf0: {  	s8 =	simm.s32 $0xA080;
	v3 =	vadd.s32 v1, v3  }
0xf1: {  	[hbm4b:s2+s3] =	stream.indirect_vreg.scatter [tilespmem:s8], [sflag:$0x1], $0x80, v4, vm0, $0xb8;
	[tilespmem:$0x10080] =	vst v63  }
0xf2: {  	s9 =	simm.s32 $0xA880  }
0xf3: {  	[hbm4b:s4+s3] =	stream.indirect_vreg.scatter [tilespmem:s9], [sflag:$0x1], $0x80, v4, vm0, $0xb8;
	[tilespmem:$0x10080] =	vst v63  }
0xf4: {  	s10 =	simm.s32 $0xB080  }
0xf5: {  	[hbm4b:s2+s3] =	stream.indirect_vreg.scatter [tilespmem:s10], [sflag:$0x1], $0x80, v3, vm0, $0xb8;
	[tilespmem:$0x10080] =	vst v63  }
0xf6: {  	s23 =	simm.s32 $0xB880  }
0xf7: {  	[hbm4b:s4+s3] =	stream.indirect_vreg.scatter [tilespmem:s23], [sflag:$0x1], $0x80, v3, vm0, $0xb8;
	[tilespmem:$0x10080] =	vst v63  }
0xf8: {  	v3 =	vld [tilespmem:$0x60];
	_ =	sdelay $0x4  }
0xf9: {  	v46 =	vshll.u32 v3, $0x2  }
0xfa: {  	v3 =	vand.u32 $0x7, v3;
	v4 =	vand.u32 $0xFFFFFFE0, v46  }
0xfb: {  	v3 =	vor.u32 v3, v4  }
0xfc: {  	v4 =	vperm.xlane v3, v0;
	_ =	sdelay $0x1  }
0xfd: {  	v4 =	vadd.s32 v1, v4;
	_ =	sdelay $0x1  }
0xfe: {  	v3 =	vperm.xlane v3, v2;
	_ =	sdelay $0x1  }
0xff: {  	s30 =	simm.s32 $0xC080;
	v3 =	vadd.s32 v1, v3  }
0x100: {  	[hbm4b:s2+s3] =	stream.indirect_vreg.scatter [tilespmem:s30], [sflag:$0x1], $0x80, v4, vm0, $0xb8;
	[tilespmem:$0x10080] =	vst v63  }
0x101: {  	s28 =	simm.s32 $0xC880  }
0x102: {  	[hbm4b:s4+s3] =	stream.indirect_vreg.scatter [tilespmem:s28], [sflag:$0x1], $0x80, v4, vm0, $0xb8;
	[tilespmem:$0x10080] =	vst v63  }
0x103: {  	s29 =	simm.s32 $0xD080  }
0x104: {  	[hbm4b:s2+s3] =	stream.indirect_vreg.scatter [tilespmem:s29], [sflag:$0x1], $0x80, v3, vm0, $0xb8;
	[tilespmem:$0x10080] =	vst v63  }
0x105: {  	s22 =	simm.s32 $0xD880  }
0x106: {  	[hbm4b:s4+s3] =	stream.indirect_vreg.scatter [tilespmem:s22], [sflag:$0x1], $0x80, v3, vm0, $0xb8;
	[tilespmem:$0x10080] =	vst v63  }
0x107: {  	v3 =	vld [tilespmem:$0x70];
	_ =	sdelay $0x4  }
0x108: {  	v47 =	vshll.u32 v3, $0x2  }
0x109: {  	v3 =	vand.u32 $0x7, v3;
	v4 =	vand.u32 $0xFFFFFFE0, v47  }
0x10a: {  	v3 =	vor.u32 v3, v4  }
0x10b: {  	v4 =	vperm.xlane v3, v0;
	_ =	sdelay $0x1  }
0x10c: {  	v4 =	vadd.s32 v1, v4;
	_ =	sdelay $0x1  }
0x10d: {  	v3 =	vperm.xlane v3, v2;
	_ =	sdelay $0x1  }
0x10e: {  	s28 =	simm.s32 $0xE080;
	v3 =	vadd.s32 v1, v3  }
0x10f: {  	[hbm4b:s2+s3] =	stream.indirect_vreg.scatter [tilespmem:s28], [sflag:$0x1], $0x80, v4, vm0, $0xb8;
	[tilespmem:$0x10080] =	vst v63  }
0x110: {  	s29 =	simm.s32 $0xE880  }
0x111: {  	[hbm4b:s4+s3] =	stream.indirect_vreg.scatter [tilespmem:s29], [sflag:$0x1], $0x80, v4, vm0, $0xb8;
	[tilespmem:$0x10080] =	vst v63  }
0x112: {  	s30 =	simm.s32 $0xF080  }
0x113: {  	[hbm4b:s2+s3] =	stream.indirect_vreg.scatter [tilespmem:s30], [sflag:$0x1], $0x80, v3, vm0, $0xb8;
	[tilespmem:$0x10080] =	vst v63  }
0x114: {  	s21 =	simm.s32 $0xF880  }
0x115: {  	[hbm4b:s4+s3] =	stream.indirect_vreg.scatter [tilespmem:s21], [sflag:$0x1], $0x80, v3, vm0, $0xb8;
	[tilespmem:$0x10080] =	vst v63  }
0x116: {  	_ =	swait.ge [sflag:s14], $0x10000  }
0x117: {  	[sflag:s14] =	ssyncset.done $0x0  }
0x118: {  	s21 =	rddreg [dreg:$0x7];
	[sflag:s14] =	ssyncadd.s32 $0xFFFF0000  }
0x119: {  	[tilespmem:s3], [sflag:$0x2] =	stream.linear.gather [hbm4b:s21+s3], $0x80, $0x38;
	[tilespmem:$0x10080] =	vst v63  }
0x11a: {  	_ =	swait.ge [sflag:s6], $0x80  }
0x11b: {  	[sflag:s6] =	ssyncset.done $0x0  }
0x11c: {  	s22 =	rddreg [dreg:$0x8];
	[sflag:s6] =	ssyncadd.s32 $0xFFFFFF80  }
0x11d: {  	[tilespmem:s25], [sflag:$0x2] =	stream.linear.gather [hbm4b:s22+s3], $0x10000, $0x38;
	[tilespmem:$0x10080] =	vst v63  }
0x11e: {  	_ =	swait.ge [sflag:s6], $0x10000  }
0x11f: {  	[sflag:s6] =	ssyncset.done $0x0  }
0x120: {  	[sflag:s6] =	ssyncadd.s32 $0xFFFF0000  }
0x121: {  	v3 =	vld [tilespmem:$0x0];
	_ =	sdelay $0x4  }
0x122: {  	v48 =	vshll.u32 v3, $0x2  }
0x123: {  	v3 =	vand.u32 $0x7, v3;
	v4 =	vand.u32 $0xFFFFFFE0, v48  }
0x124: {  	v3 =	vor.u32 v3, v4  }
0x125: {  	v4 =	vperm.xlane v3, v0;
	_ =	sdelay $0x1  }
0x126: {  	v4 =	vadd.s32 v1, v4;
	_ =	sdelay $0x1  }
0x127: {  	v3 =	vperm.xlane v3, v2;
	_ =	sdelay $0x1  }
0x128: {  	v3 =	vadd.s32 v1, v3  }
0x129: {  	[hbm4b:s2+s3] =	stream.indirect_vreg.scatter [tilespmem:s25], [sflag:$0x1], $0x80, v4, vm0, $0xb8;
	[tilespmem:$0x10080] =	vst v63  }
0x12a: {  	s26 =	simm.s32 $0x880  }
0x12b: {  	[hbm4b:s4+s3] =	stream.indirect_vreg.scatter [tilespmem:s26], [sflag:$0x1], $0x80, v4, vm0, $0xb8;
	[tilespmem:$0x10080] =	vst v63  }
0x12c: {  	s26 =	simm.s32 $0x1080  }
0x12d: {  	[hbm4b:s2+s3] =	stream.indirect_vreg.scatter [tilespmem:s26], [sflag:$0x1], $0x80, v3, vm0, $0xb8;
	[tilespmem:$0x10080] =	vst v63  }
0x12e: {  	_ = 	snop  }
0x12f: {  	[hbm4b:s4+s3] =	stream.indirect_vreg.scatter [tilespmem:s16], [sflag:$0x1], $0x80, v3, vm0, $0xb8;
	[tilespmem:$0x10080] =	vst v63  }
0x130: {  	v3 =	vld [tilespmem:$0x10];
	_ =	sdelay $0x4  }
0x131: {  	v49 =	vshll.u32 v3, $0x2  }
0x132: {  	v3 =	vand.u32 $0x7, v3;
	v4 =	vand.u32 $0xFFFFFFE0, v49  }
0x133: {  	v3 =	vor.u32 v3, v4  }
0x134: {  	v4 =	vperm.xlane v3, v0;
	_ =	sdelay $0x1  }
0x135: {  	v4 =	vadd.s32 v1, v4;
	_ =	sdelay $0x1  }
0x136: {  	v3 =	vperm.xlane v3, v2;
	_ =	sdelay $0x1  }
0x137: {  	s16 =	simm.s32 $0x2080;
	v3 =	vadd.s32 v1, v3  }
0x138: {  	[hbm4b:s2+s3] =	stream.indirect_vreg.scatter [tilespmem:s16], [sflag:$0x1], $0x80, v4, vm0, $0xb8;
	[tilespmem:$0x10080] =	vst v63  }
0x139: {  	s26 =	simm.s32 $0x2880  }
0x13a: {  	[hbm4b:s4+s3] =	stream.indirect_vreg.scatter [tilespmem:s26], [sflag:$0x1], $0x80, v4, vm0, $0xb8;
	[tilespmem:$0x10080] =	vst v63  }
0x13b: {  	s16 =	simm.s32 $0x3080  }
0x13c: {  	[hbm4b:s2+s3] =	stream.indirect_vreg.scatter [tilespmem:s16], [sflag:$0x1], $0x80, v3, vm0, $0xb8;
	[tilespmem:$0x10080] =	vst v63  }
0x13d: {  	s26 =	simm.s32 $0x3880  }
0x13e: {  	[hbm4b:s4+s3] =	stream.indirect_vreg.scatter [tilespmem:s26], [sflag:$0x1], $0x80, v3, vm0, $0xb8;
	[tilespmem:$0x10080] =	vst v63  }
0x13f: {  	v3 =	vld [tilespmem:$0x20];
	_ =	sdelay $0x4  }
0x140: {  	v50 =	vshll.u32 v3, $0x2  }
0x141: {  	v3 =	vand.u32 $0x7, v3;
	v4 =	vand.u32 $0xFFFFFFE0, v50  }
0x142: {  	v3 =	vor.u32 v3, v4  }
0x143: {  	v4 =	vperm.xlane v3, v0;
	_ =	sdelay $0x1  }
0x144: {  	v4 =	vadd.s32 v1, v4;
	_ =	sdelay $0x1  }
0x145: {  	v3 =	vperm.xlane v3, v2;
	_ =	sdelay $0x1  }
0x146: {  	s16 =	simm.s32 $0x4080;
	v3 =	vadd.s32 v1, v3  }
0x147: {  	[hbm4b:s2+s3] =	stream.indirect_vreg.scatter [tilespmem:s16], [sflag:$0x1], $0x80, v4, vm0, $0xb8;
	[tilespmem:$0x10080] =	vst v63  }
0x148: {  	_ = 	snop  }
0x149: {  	[hbm4b:s4+s3] =	stream.indirect_vreg.scatter [tilespmem:s24], [sflag:$0x1], $0x80, v4, vm0, $0xb8;
	[tilespmem:$0x10080] =	vst v63  }
0x14a: {  	_ = 	snop  }
0x14b: {  	[hbm4b:s2+s3] =	stream.indirect_vreg.scatter [tilespmem:s12], [sflag:$0x1], $0x80, v3, vm0, $0xb8;
	[tilespmem:$0x10080] =	vst v63  }
0x14c: {  	_ = 	snop  }
0x14d: {  	[hbm4b:s4+s3] =	stream.indirect_vreg.scatter [tilespmem:s13], [sflag:$0x1], $0x80, v3, vm0, $0xb8;
	[tilespmem:$0x10080] =	vst v63  }
0x14e: {  	v3 =	vld [tilespmem:$0x30];
	_ =	sdelay $0x4  }
0x14f: {  	v51 =	vshll.u32 v3, $0x2  }
0x150: {  	v3 =	vand.u32 $0x7, v3;
	v4 =	vand.u32 $0xFFFFFFE0, v51  }
0x151: {  	v3 =	vor.u32 v3, v4  }
0x152: {  	v4 =	vperm.xlane v3, v0;
	_ =	sdelay $0x1  }
0x153: {  	v4 =	vadd.s32 v1, v4;
	_ =	sdelay $0x1  }
0x154: {  	v3 =	vperm.xlane v3, v2;
	_ =	sdelay $0x1  }
0x155: {  	v3 =	vadd.s32 v1, v3  }
0x156: {  	[hbm4b:s2+s3] =	stream.indirect_vreg.scatter [tilespmem:s17], [sflag:$0x1], $0x80, v4, vm0, $0xb8;
	[tilespmem:$0x10080] =	vst v63  }
0x157: {  	_ = 	snop  }
0x158: {  	[hbm4b:s4+s3] =	stream.indirect_vreg.scatter [tilespmem:s18], [sflag:$0x1], $0x80, v4, vm0, $0xb8;
	[tilespmem:$0x10080] =	vst v63  }
0x159: {  	_ = 	snop  }
0x15a: {  	[hbm4b:s2+s3] =	stream.indirect_vreg.scatter [tilespmem:s19], [sflag:$0x1], $0x80, v3, vm0, $0xb8;
	[tilespmem:$0x10080] =	vst v63  }
0x15b: {  	_ = 	snop  }
0x15c: {  	[hbm4b:s4+s3] =	stream.indirect_vreg.scatter [tilespmem:s20], [sflag:$0x1], $0x80, v3, vm0, $0xb8;
	[tilespmem:$0x10080] =	vst v63  }
0x15d: {  	v3 =	vld [tilespmem:$0x40];
	_ =	sdelay $0x4  }
0x15e: {  	v52 =	vshll.u32 v3, $0x2  }
0x15f: {  	v3 =	vand.u32 $0x7, v3;
	v4 =	vand.u32 $0xFFFFFFE0, v52  }
0x160: {  	v3 =	vor.u32 v3, v4  }
0x161: {  	v4 =	vperm.xlane v3, v0;
	_ =	sdelay $0x1  }
0x162: {  	v4 =	vadd.s32 v1, v4;
	_ =	sdelay $0x1  }
0x163: {  	v3 =	vperm.xlane v3, v2;
	_ =	sdelay $0x1  }
0x164: {  	v3 =	vadd.s32 v1, v3  }
0x165: {  	[hbm4b:s2+s3] =	stream.indirect_vreg.scatter [tilespmem:s0], [sflag:$0x1], $0x80, v4, vm0, $0xb8;
	[tilespmem:$0x10080] =	vst v63  }
0x166: {  	_ = 	snop  }
0x167: {  	[hbm4b:s4+s3] =	stream.indirect_vreg.scatter [tilespmem:s1], [sflag:$0x1], $0x80, v4, vm0, $0xb8;
	[tilespmem:$0x10080] =	vst v63  }
0x168: {  	_ = 	snop  }
0x169: {  	[hbm4b:s2+s3] =	stream.indirect_vreg.scatter [tilespmem:s7], [sflag:$0x1], $0x80, v3, vm0, $0xb8;
	[tilespmem:$0x10080] =	vst v63  }
0x16a: {  	_ = 	snop  }
0x16b: {  	[hbm4b:s4+s3] =	stream.indirect_vreg.scatter [tilespmem:s11], [sflag:$0x1], $0x80, v3, vm0, $0xb8;
	[tilespmem:$0x10080] =	vst v63  }
0x16c: {  	v3 =	vld [tilespmem:$0x50];
	_ =	sdelay $0x4  }
0x16d: {  	v53 =	vshll.u32 v3, $0x2  }
0x16e: {  	v3 =	vand.u32 $0x7, v3;
	v4 =	vand.u32 $0xFFFFFFE0, v53  }
0x16f: {  	v3 =	vor.u32 v3, v4  }
0x170: {  	v4 =	vperm.xlane v3, v0;
	_ =	sdelay $0x1  }
0x171: {  	v4 =	vadd.s32 v1, v4;
	_ =	sdelay $0x1  }
0x172: {  	v3 =	vperm.xlane v3, v2;
	_ =	sdelay $0x1  }
0x173: {  	v3 =	vadd.s32 v1, v3  }
0x174: {  	[hbm4b:s2+s3] =	stream.indirect_vreg.scatter [tilespmem:s8], [sflag:$0x1], $0x80, v4, vm0, $0xb8;
	[tilespmem:$0x10080] =	vst v63  }
0x175: {  	_ = 	snop  }
0x176: {  	[hbm4b:s4+s3] =	stream.indirect_vreg.scatter [tilespmem:s9], [sflag:$0x1], $0x80, v4, vm0, $0xb8;
	[tilespmem:$0x10080] =	vst v63  }
0x177: {  	_ = 	snop  }
0x178: {  	[hbm4b:s2+s3] =	stream.indirect_vreg.scatter [tilespmem:s10], [sflag:$0x1], $0x80, v3, vm0, $0xb8;
	[tilespmem:$0x10080] =	vst v63  }
0x179: {  	s26 =	simm.s32 $0xB880  }
0x17a: {  	[hbm4b:s4+s3] =	stream.indirect_vreg.scatter [tilespmem:s26], [sflag:$0x1], $0x80, v3, vm0, $0xb8;
	[tilespmem:$0x10080] =	vst v63  }
0x17b: {  	v3 =	vld [tilespmem:$0x60];
	_ =	sdelay $0x4  }
0x17c: {  	v54 =	vshll.u32 v3, $0x2  }
0x17d: {  	v3 =	vand.u32 $0x7, v3;
	v4 =	vand.u32 $0xFFFFFFE0, v54  }
0x17e: {  	v3 =	vor.u32 v3, v4  }
0x17f: {  	v4 =	vperm.xlane v3, v0;
	_ =	sdelay $0x1  }
0x180: {  	v4 =	vadd.s32 v1, v4;
	_ =	sdelay $0x1  }
0x181: {  	v3 =	vperm.xlane v3, v2;
	_ =	sdelay $0x1  }
0x182: {  	s31 =	simm.s32 $0xC080;
	v3 =	vadd.s32 v1, v3  }
0x183: {  	[hbm4b:s2+s3] =	stream.indirect_vreg.scatter [tilespmem:s31], [sflag:$0x1], $0x80, v4, vm0, $0xb8;
	[tilespmem:$0x10080] =	vst v63  }
0x184: {  	s24 =	simm.s32 $0xC880  }
0x185: {  	[hbm4b:s4+s3] =	stream.indirect_vreg.scatter [tilespmem:s24], [sflag:$0x1], $0x80, v4, vm0, $0xb8;
	[tilespmem:$0x10080] =	vst v63  }
0x186: {  	s23 =	simm.s32 $0xD080  }
0x187: {  	[hbm4b:s2+s3] =	stream.indirect_vreg.scatter [tilespmem:s23], [sflag:$0x1], $0x80, v3, vm0, $0xb8;
	[tilespmem:$0x10080] =	vst v63  }
0x188: {  	s26 =	simm.s32 $0xD880  }
0x189: {  	[hbm4b:s4+s3] =	stream.indirect_vreg.scatter [tilespmem:s26], [sflag:$0x1], $0x80, v3, vm0, $0xb8;
	[tilespmem:$0x10080] =	vst v63  }
0x18a: {  	v3 =	vld [tilespmem:$0x70];
	_ =	sdelay $0x4  }
0x18b: {  	v55 =	vshll.u32 v3, $0x2  }
0x18c: {  	v3 =	vand.u32 $0x7, v3;
	v4 =	vand.u32 $0xFFFFFFE0, v55  }
0x18d: {  	v3 =	vor.u32 v3, v4  }
0x18e: {  	v4 =	vperm.xlane v3, v0;
	_ =	sdelay $0x1  }
0x18f: {  	v4 =	vadd.s32 v1, v4;
	_ =	sdelay $0x1  }
0x190: {  	v3 =	vperm.xlane v3, v2;
	_ =	sdelay $0x1  }
0x191: {  	s28 =	simm.s32 $0xE080;
	v3 =	vadd.s32 v1, v3  }
0x192: {  	[hbm4b:s2+s3] =	stream.indirect_vreg.scatter [tilespmem:s28], [sflag:$0x1], $0x80, v4, vm0, $0xb8;
	[tilespmem:$0x10080] =	vst v63  }
0x193: {  	s29 =	simm.s32 $0xE880  }
0x194: {  	[hbm4b:s4+s3] =	stream.indirect_vreg.scatter [tilespmem:s29], [sflag:$0x1], $0x80, v4, vm0, $0xb8;
	[tilespmem:$0x10080] =	vst v63  }
0x195: {  	s30 =	simm.s32 $0xF080  }
0x196: {  	[hbm4b:s2+s3] =	stream.indirect_vreg.scatter [tilespmem:s30], [sflag:$0x1], $0x80, v3, vm0, $0xb8;
	[tilespmem:$0x10080] =	vst v63  }
0x197: {  	s29 =	simm.s32 $0xF880  }
0x198: {  	[hbm4b:s4+s3] =	stream.indirect_vreg.scatter [tilespmem:s29], [sflag:$0x1], $0x80, v3, vm0, $0xb8;
	[tilespmem:$0x10080] =	vst v63  }
0x199: {  	_ =	swait.ge [sflag:s14], $0x10000  }
0x19a: {  	[sflag:s14] =	ssyncset.done $0x0  }
0x19b: {  	s30 =	rddreg [dreg:$0x9];
	[sflag:s14] =	ssyncadd.s32 $0xFFFF0000  }
0x19c: {  	[tilespmem:s3], [sflag:$0x2] =	stream.linear.gather [hbm4b:s30+s3], $0x80, $0x38;
	[tilespmem:$0x10080] =	vst v63  }
0x19d: {  	_ =	swait.ge [sflag:s6], $0x80  }
0x19e: {  	[sflag:s6] =	ssyncset.done $0x0  }
0x19f: {  	s30 =	rddreg [dreg:$0xa];
	[sflag:s6] =	ssyncadd.s32 $0xFFFFFF80  }
0x1a0: {  	[tilespmem:s25], [sflag:$0x2] =	stream.linear.gather [hbm4b:s30+s3], $0x10000, $0x38;
	[tilespmem:$0x10080] =	vst v63  }
0x1a1: {  	_ =	swait.ge [sflag:s6], $0x10000  }
0x1a2: {  	[sflag:s6] =	ssyncset.done $0x0  }
0x1a3: {  	[sflag:s6] =	ssyncadd.s32 $0xFFFF0000  }
0x1a4: {  	v3 =	vld [tilespmem:$0x0];
	_ =	sdelay $0x4  }
0x1a5: {  	v56 =	vshll.u32 v3, $0x2  }
0x1a6: {  	v3 =	vand.u32 $0x7, v3;
	v4 =	vand.u32 $0xFFFFFFE0, v56  }
0x1a7: {  	v3 =	vor.u32 v3, v4  }
0x1a8: {  	v4 =	vperm.xlane v3, v0;
	_ =	sdelay $0x1  }
0x1a9: {  	v4 =	vadd.s32 v1, v4;
	_ =	sdelay $0x1  }
0x1aa: {  	v3 =	vperm.xlane v3, v2;
	_ =	sdelay $0x1  }
0x1ab: {  	v3 =	vadd.s32 v1, v3  }
0x1ac: {  	[hbm4b:s2+s3] =	stream.indirect_vreg.scatter [tilespmem:s25], [sflag:$0x1], $0x80, v4, vm0, $0xb8;
	[tilespmem:$0x10080] =	vst v63  }
0x1ad: {  	s22 =	simm.s32 $0x880  }
0x1ae: {  	[hbm4b:s4+s3] =	stream.indirect_vreg.scatter [tilespmem:s22], [sflag:$0x1], $0x80, v4, vm0, $0xb8;
	[tilespmem:$0x10080] =	vst v63  }
0x1af: {  	s22 =	simm.s32 $0x1080  }
0x1b0: {  	[hbm4b:s2+s3] =	stream.indirect_vreg.scatter [tilespmem:s22], [sflag:$0x1], $0x80, v3, vm0, $0xb8;
	[tilespmem:$0x10080] =	vst v63  }
0x1b1: {  	s21 =	simm.s32 $0x1880  }
0x1b2: {  	[hbm4b:s4+s3] =	stream.indirect_vreg.scatter [tilespmem:s21], [sflag:$0x1], $0x80, v3, vm0, $0xb8;
	[tilespmem:$0x10080] =	vst v63  }
0x1b3: {  	v3 =	vld [tilespmem:$0x10];
	_ =	sdelay $0x4  }
0x1b4: {  	v57 =	vshll.u32 v3, $0x2  }
0x1b5: {  	v3 =	vand.u32 $0x7, v3;
	v4 =	vand.u32 $0xFFFFFFE0, v57  }
0x1b6: {  	v3 =	vor.u32 v3, v4  }
0x1b7: {  	v4 =	vperm.xlane v3, v0;
	_ =	sdelay $0x1  }
0x1b8: {  	v4 =	vadd.s32 v1, v4;
	_ =	sdelay $0x1  }
0x1b9: {  	v3 =	vperm.xlane v3, v2;
	_ =	sdelay $0x1  }
0x1ba: {  	s30 =	simm.s32 $0x2080;
	v3 =	vadd.s32 v1, v3  }
0x1bb: {  	[hbm4b:s2+s3] =	stream.indirect_vreg.scatter [tilespmem:s30], [sflag:$0x1], $0x80, v4, vm0, $0xb8;
	[tilespmem:$0x10080] =	vst v63  }
0x1bc: {  	s21 =	simm.s32 $0x2880  }
0x1bd: {  	[hbm4b:s4+s3] =	stream.indirect_vreg.scatter [tilespmem:s21], [sflag:$0x1], $0x80, v4, vm0, $0xb8;
	[tilespmem:$0x10080] =	vst v63  }
0x1be: {  	s22 =	simm.s32 $0x3080  }
0x1bf: {  	[hbm4b:s2+s3] =	stream.indirect_vreg.scatter [tilespmem:s22], [sflag:$0x1], $0x80, v3, vm0, $0xb8;
	[tilespmem:$0x10080] =	vst v63  }
0x1c0: {  	s30 =	simm.s32 $0x3880  }
0x1c1: {  	[hbm4b:s4+s3] =	stream.indirect_vreg.scatter [tilespmem:s30], [sflag:$0x1], $0x80, v3, vm0, $0xb8;
	[tilespmem:$0x10080] =	vst v63  }
0x1c2: {  	v3 =	vld [tilespmem:$0x20];
	_ =	sdelay $0x4  }
0x1c3: {  	v58 =	vshll.u32 v3, $0x2  }
0x1c4: {  	v3 =	vand.u32 $0x7, v3;
	v4 =	vand.u32 $0xFFFFFFE0, v58  }
0x1c5: {  	v3 =	vor.u32 v3, v4  }
0x1c6: {  	v4 =	vperm.xlane v3, v0;
	_ =	sdelay $0x1  }
0x1c7: {  	v4 =	vadd.s32 v1, v4;
	_ =	sdelay $0x1  }
0x1c8: {  	v3 =	vperm.xlane v3, v2;
	_ =	sdelay $0x1  }
0x1c9: {  	s21 =	simm.s32 $0x4080;
	v3 =	vadd.s32 v1, v3  }
0x1ca: {  	[hbm4b:s2+s3] =	stream.indirect_vreg.scatter [tilespmem:s21], [sflag:$0x1], $0x80, v4, vm0, $0xb8;
	[tilespmem:$0x10080] =	vst v63  }
0x1cb: {  	s16 =	simm.s32 $0x4880  }
0x1cc: {  	[hbm4b:s4+s3] =	stream.indirect_vreg.scatter [tilespmem:s16], [sflag:$0x1], $0x80, v4, vm0, $0xb8;
	[tilespmem:$0x10080] =	vst v63  }
0x1cd: {  	s12 =	simm.s32 $0x5080  }
0x1ce: {  	[hbm4b:s2+s3] =	stream.indirect_vreg.scatter [tilespmem:s12], [sflag:$0x1], $0x80, v3, vm0, $0xb8;
	[tilespmem:$0x10080] =	vst v63  }
0x1cf: {  	s13 =	simm.s32 $0x5880  }
0x1d0: {  	[hbm4b:s4+s3] =	stream.indirect_vreg.scatter [tilespmem:s13], [sflag:$0x1], $0x80, v3, vm0, $0xb8;
	[tilespmem:$0x10080] =	vst v63  }
0x1d1: {  	v3 =	vld [tilespmem:$0x30];
	_ =	sdelay $0x4  }
0x1d2: {  	v59 =	vshll.u32 v3, $0x2  }
0x1d3: {  	v3 =	vand.u32 $0x7, v3;
	v4 =	vand.u32 $0xFFFFFFE0, v59  }
0x1d4: {  	v3 =	vor.u32 v3, v4  }
0x1d5: {  	v4 =	vperm.xlane v3, v0;
	_ =	sdelay $0x1  }
0x1d6: {  	v4 =	vadd.s32 v1, v4;
	_ =	sdelay $0x1  }
0x1d7: {  	v3 =	vperm.xlane v3, v2;
	_ =	sdelay $0x1  }
0x1d8: {  	s17 =	simm.s32 $0x6080;
	v3 =	vadd.s32 v1, v3  }
0x1d9: {  	[hbm4b:s2+s3] =	stream.indirect_vreg.scatter [tilespmem:s17], [sflag:$0x1], $0x80, v4, vm0, $0xb8;
	[tilespmem:$0x10080] =	vst v63  }
0x1da: {  	s18 =	simm.s32 $0x6880  }
0x1db: {  	[hbm4b:s4+s3] =	stream.indirect_vreg.scatter [tilespmem:s18], [sflag:$0x1], $0x80, v4, vm0, $0xb8;
	[tilespmem:$0x10080] =	vst v63  }
0x1dc: {  	s19 =	simm.s32 $0x7080  }
0x1dd: {  	[hbm4b:s2+s3] =	stream.indirect_vreg.scatter [tilespmem:s19], [sflag:$0x1], $0x80, v3, vm0, $0xb8;
	[tilespmem:$0x10080] =	vst v63  }
0x1de: {  	s20 =	simm.s32 $0x7880  }
0x1df: {  	[hbm4b:s4+s3] =	stream.indirect_vreg.scatter [tilespmem:s20], [sflag:$0x1], $0x80, v3, vm0, $0xb8;
	[tilespmem:$0x10080] =	vst v63  }
0x1e0: {  	v3 =	vld [tilespmem:$0x40];
	_ =	sdelay $0x4  }
0x1e1: {  	v60 =	vshll.u32 v3, $0x2  }
0x1e2: {  	v3 =	vand.u32 $0x7, v3;
	v4 =	vand.u32 $0xFFFFFFE0, v60  }
0x1e3: {  	v3 =	vor.u32 v3, v4  }
0x1e4: {  	v4 =	vperm.xlane v3, v0;
	_ =	sdelay $0x1  }
0x1e5: {  	v4 =	vadd.s32 v1, v4;
	_ =	sdelay $0x1  }
0x1e6: {  	v3 =	vperm.xlane v3, v2;
	_ =	sdelay $0x1  }
0x1e7: {  	s0 =	simm.s32 $0x8080;
	v3 =	vadd.s32 v1, v3  }
0x1e8: {  	[hbm4b:s2+s3] =	stream.indirect_vreg.scatter [tilespmem:s0], [sflag:$0x1], $0x80, v4, vm0, $0xb8;
	[tilespmem:$0x10080] =	vst v63  }
0x1e9: {  	s1 =	simm.s32 $0x8880  }
0x1ea: {  	[hbm4b:s4+s3] =	stream.indirect_vreg.scatter [tilespmem:s1], [sflag:$0x1], $0x80, v4, vm0, $0xb8;
	[tilespmem:$0x10080] =	vst v63  }
0x1eb: {  	s7 =	simm.s32 $0x9080  }
0x1ec: {  	[hbm4b:s2+s3] =	stream.indirect_vreg.scatter [tilespmem:s7], [sflag:$0x1], $0x80, v3, vm0, $0xb8;
	[tilespmem:$0x10080] =	vst v63  }
0x1ed: {  	s11 =	simm.s32 $0x9880  }
0x1ee: {  	[hbm4b:s4+s3] =	stream.indirect_vreg.scatter [tilespmem:s11], [sflag:$0x1], $0x80, v3, vm0, $0xb8;
	[tilespmem:$0x10080] =	vst v63  }
0x1ef: {  	v3 =	vld [tilespmem:$0x50];
	_ =	sdelay $0x4  }
0x1f0: {  	v61 =	vshll.u32 v3, $0x2  }
0x1f1: {  	v3 =	vand.u32 $0x7, v3;
	v4 =	vand.u32 $0xFFFFFFE0, v61  }
0x1f2: {  	v3 =	vor.u32 v3, v4  }
0x1f3: {  	v4 =	vperm.xlane v3, v0;
	_ =	sdelay $0x1  }
0x1f4: {  	v4 =	vadd.s32 v1, v4;
	_ =	sdelay $0x1  }
0x1f5: {  	v3 =	vperm.xlane v3, v2;
	_ =	sdelay $0x1  }
0x1f6: {  	s8 =	simm.s32 $0xA080;
	v3 =	vadd.s32 v1, v3  }
0x1f7: {  	[hbm4b:s2+s3] =	stream.indirect_vreg.scatter [tilespmem:s8], [sflag:$0x1], $0x80, v4, vm0, $0xb8;
	[tilespmem:$0x10080] =	vst v63  }
0x1f8: {  	s9 =	simm.s32 $0xA880  }
0x1f9: {  	[hbm4b:s4+s3] =	stream.indirect_vreg.scatter [tilespmem:s9], [sflag:$0x1], $0x80, v4, vm0, $0xb8;
	[tilespmem:$0x10080] =	vst v63  }
0x1fa: {  	s10 =	simm.s32 $0xB080  }
0x1fb: {  	[hbm4b:s2+s3] =	stream.indirect_vreg.scatter [tilespmem:s10], [sflag:$0x1], $0x80, v3, vm0, $0xb8;
	[tilespmem:$0x10080] =	vst v63  }
0x1fc: {  	s22 =	simm.s32 $0xB880  }
0x1fd: {  	[hbm4b:s4+s3] =	stream.indirect_vreg.scatter [tilespmem:s22], [sflag:$0x1], $0x80, v3, vm0, $0xb8;
	[tilespmem:$0x10080] =	vst v63  }
0x1fe: {  	v3 =	vld [tilespmem:$0x60];
	_ =	sdelay $0x4  }
0x1ff: {  	v62 =	vshll.u32 v3, $0x2  }
0x200: {  	v3 =	vand.u32 $0x7, v3;
	v4 =	vand.u32 $0xFFFFFFE0, v62  }
0x201: {  	v3 =	vor.u32 v3, v4  }
0x202: {  	v4 =	vperm.xlane v3, v0;
	_ =	sdelay $0x1  }
0x203: {  	v4 =	vadd.s32 v1, v4;
	_ =	sdelay $0x1  }
0x204: {  	v3 =	vperm.xlane v3, v2;
	_ =	sdelay $0x1  }
0x205: {  	s31 =	simm.s32 $0xC080;
	v3 =	vadd.s32 v1, v3  }
0x206: {  	[hbm4b:s2+s3] =	stream.indirect_vreg.scatter [tilespmem:s31], [sflag:$0x1], $0x80, v4, vm0, $0xb8;
	[tilespmem:$0x10080] =	vst v63  }
0x207: {  	s30 =	simm.s32 $0xC880  }
0x208: {  	[hbm4b:s4+s3] =	stream.indirect_vreg.scatter [tilespmem:s30], [sflag:$0x1], $0x80, v4, vm0, $0xb8;
	[tilespmem:$0x10080] =	vst v63  }
0x209: {  	s24 =	simm.s32 $0xD080  }
0x20a: {  	[hbm4b:s2+s3] =	stream.indirect_vreg.scatter [tilespmem:s24], [sflag:$0x1], $0x80, v3, vm0, $0xb8;
	[tilespmem:$0x10080] =	vst v63  }
0x20b: {  	s31 =	simm.s32 $0xD880  }
0x20c: {  	[hbm4b:s4+s3] =	stream.indirect_vreg.scatter [tilespmem:s31], [sflag:$0x1], $0x80, v3, vm0, $0xb8;
	[tilespmem:$0x10080] =	vst v63  }
0x20d: {  	v3 =	vld [tilespmem:$0x70];
	_ =	sdelay $0x4  }
0x20e: {  	v63 =	vshll.u32 v3, $0x2  }
0x20f: {  	v3 =	vand.u32 $0x7, v3;
	v4 =	vand.u32 $0xFFFFFFE0, v63  }
0x210: {  	v3 =	vor.u32 v3, v4  }
0x211: {  	v4 =	vperm.xlane v3, v0;
	_ =	sdelay $0x1  }
0x212: {  	v4 =	vadd.s32 v1, v4;
	_ =	sdelay $0x1  }
0x213: {  	v3 =	vperm.xlane v3, v2;
	_ =	sdelay $0x1  }
0x214: {  	s23 =	simm.s32 $0xE080;
	v3 =	vadd.s32 v1, v3  }
0x215: {  	[hbm4b:s2+s3] =	stream.indirect_vreg.scatter [tilespmem:s23], [sflag:$0x1], $0x80, v4, vm0, $0xb8;
	[tilespmem:$0x10080] =	vst v63  }
0x216: {  	s26 =	simm.s32 $0xE880  }
0x217: {  	[hbm4b:s4+s3] =	stream.indirect_vreg.scatter [tilespmem:s26], [sflag:$0x1], $0x80, v4, vm0, $0xb8;
	[tilespmem:$0x10080] =	vst v63  }
0x218: {  	p0 =	sne.s32 s5, $0x1;
	s28 =	simm.s32 $0xF080  }
0x219: {  	[hbm4b:s2+s3] =	stream.indirect_vreg.scatter [tilespmem:s28], [sflag:$0x1], $0x80, v3, vm0, $0xb8;
	[tilespmem:$0x10080] =	vst v63  }
.Ltmp0:
0x21a: {  	s29 =	simm.s32 $0xF880;
	(pc) =	sbr.rel @p0 .LBB2_1-.Ltmp0, $4  }
0x21b: {  	[hbm4b:s4+s3] =	stream.indirect_vreg.scatter [tilespmem:s29], [sflag:$0x1], $0x80, v3, vm0, $0xb8;
	[tilespmem:$0x10080] =	vst v63  }
0x21c: {  	_ =	swait.ge [sflag:s14], $0x10000  }
0x21d: {  	[sflag:s14] =	ssyncset.done $0x0  }
0x21e: {  	s5 =	sadd.s32 $0xFFFFFFFF, s5;
	[sflag:s14] =	ssyncadd.s32 $0xFFFF0000  }
0x21f: {  	_ =	sfence.sel $0x180000  }
0x220: {  	[bflag:$0x0] =	sbarrier.arrive $0xFFFF  }
0x221: {  	_ =	strace $0x90000047  }
0x222: {  	s0 =	stileid.u32;
	[bflag:$0x2] =	sbarrier.arrive $0xFFFF  }
0x223: {  	p0 =	sne.s32 s0, $0x0;
	s0 =	rddreg [dreg:$0x2]  }
0x224: {  	s0 =	sadd.s32 @!p0 $0x100000, s0  }
0x225: {  	[sflag:s0] =	ssyncadd.tile.s32 @!p0 $0x1;
	_ =	shalt  }
.Lfunc_end2:
_tile_overlayer_lowered:
.L_overlay_start_2:
0x226: {  	(tag) =	ssettag $0x2  }
0x227: {  	s0 =	rddreg [dreg:$0x0];
	s2 =	stileid.u32  }
0x228: {  	s1 =	rddreg [dreg:$0x1];
	p0 =	sne.s32 s2, $0x0  }
0x229: {  	s3 =	rddreg [dreg:$0x2];
	[bflag:$0x3] =	sbarrier.arrive $0xFFFF;
	s2 =	simm.s32 @!p0 $0x1C02  }
0x22a: {  	[timem:s3], [sflag:s2] =	dma.local @!p0 [hbm:s0], s1  }
0x22b: {  	s0 =	simm.s32 @!p0 $0x2  }
0x22c: {  	_ =	swait.ge @!p0 [sflag:s0], s1  }
0x22d: {  	s1 =	ssub.s32 @!p0 $0x0, s1;
	[sflag:s0] =	ssyncset.done @!p0 $0x0  }
0x22e: {  	[sflag:s0] =	ssyncadd.s32 @!p0 s1  }
0x22f: {  	[bflag:$0x3] =	sbarrier.arrive $0xFFFF  }
0x230: {  	_ =	shalt  }

// kernel: kernel.9.cloned.1.call-start
scs
__scs_entry_jumppad:
0x0: {  	(pc) =	sbr.rel $0x88, $3  }
0x1: {  	(tag) =	ssettag $0x0;
	lr =	simm.s32 $0x1  }
0x2: {  	[smem:$0x3F9A] =	sst lr;
	_ =	strace $0xD0000000  }
0x3: {  	_ = 	snop  }
0x4: {  	_ = 	snop  }
0x5: {  	_ = 	snop  }
0x6: {  	_ = 	snop  }
0x7: {  	_ = 	snop  }
__scs_overlays_trampoline_lowered:
0x8: {  	[smem:$0x3FA9] =	sst s0  }
0x9: {  	[smem:$0x3FAA] =	sst s1  }
0xa: {  	[smem:$0x3FAB] =	sst s2  }
0xb: {  	[smem:$0x3FAC] =	sst s3  }
0xc: {  	[smem:$0x3FAD] =	sst s4  }
0xd: {  	[smem:$0x3FAE] =	sst s5  }
0xe: {  	[smem:$0x3FAF] =	sst s6  }
0xf: {  	[smem:$0x3FB0] =	sst s7  }
0x10: {  	[smem:$0x3FB1] =	sst s8  }
0x11: {  	[smem:$0x3FB2] =	sst s9;
	s0 =	simm.s32 @!p0 $0x0  }
0x12: {  	s1 =	sld [smem:$0x3F98];
	s0 =	simm.s32 @p0 $0x1  }
0x13: {  	[smem:$0x3FB3] =	sst s0;
	s0 =	simm.s32 @!p1 $0x0  }
0x14: {  	s2 =	sld [smem:$0x3F97];
	s0 =	simm.s32 @p1 $0x1  }
0x15: {  	[smem:$0x3FB4] =	sst s0;
	s0 =	simm.s32 @!p2 $0x0  }
0x16: {  	s3 =	sld [smem:$0x3FDB];
	s0 =	simm.s32 @p2 $0x1  }
0x17: {  	s4 =	simm.s32 $0x1BF5;
	[smem:$0x3FB6] =	sst s0  }
0x18: {  	s0 =	sld [smem:$0x3F99];
	_ =	swait.ge [sflag:s4], $0x0  }
0x19: {  	s7 =	sld [smem:$0x3F9A]  }
0x1a: {  	s8 =	sadd.s32 $0xFFFFE003, lr  }
0x1b: {  	s9 =	sadd.s32 $0xFFFFFEF7, lr;
	s5 =	simm.s32 $0xFFFFFFFF;
	p2 =	slt.u32 s8, $0xFFFFF086  }
0x1c: {  	p1 =	slt.u32 s9, $0xF7A;
	s5 =	simm.s32 @!p2 $0x0  }
0x1d: {  	s5 =	simm.s32 @p1 $0x1;
	p0 =	seq.s32 s7, s2  }
0x1e: {  	s7 =	smul.u32 @!p0 $0xF7A, s2;
	p2 =	seq.s32 @!p0 s5, $0x0  }
0x1f: {  	s9 =	smul.u32 $0xF7A, s1;
	s8 =	simm.s32 @!p0 $0x1BF5;
	p2 =	por !p2, p0  }
0x20: {  	[sflag:s8] =	ssyncset.s32 @!p0 $0xFFFFF086;
	s6 =	sadd.s32 @!p0 s3, s7;
	s7 =	simm.s32 @!p0 $0x108  }
0x21: {  	s3 =	sadd.s32 s3, s9;
	s6 =	sadd.s32 @!p0 $0x88, s6;
	s7 =	simm.s32 @p2 $0x1082  }
0x22: {  	[simem:s7], [sflag:s8] =	dma.local @!p0 [hbm:s6], $0xF7A  }
0x23: {  	s9 =	sor.u32 $0xD0000000, s2;
	s6 =	simm.s32 $0x108;
	_ =	swait.ge @!p0 [sflag:s8], $0x0  }
0x24: {  	s3 =	sadd.s32 $0x88, s3;
	s6 =	simm.s32 @!p1 $0x1082;
	[sflag:s4] =	ssyncset.s32 $0xFFFFF086  }
0x25: {  	[simem:s6], [sflag:s4] =	dma.local [hbm:s3], $0xF7A  }
0x26: {  	[smem:$0x3F9A] =	sst s1;
	(tag) =	ssettag s2;
	_ =	strace s9  }
0x27: {  	s1 =	sld [smem:$0x3FAA]  }
0x28: {  	s2 =	sld [smem:$0x3FAB]  }
0x29: {  	s4 =	sld [smem:$0x3FAD]  }
0x2a: {  	p0 =	seq.s32 s5, $0x0;
	s5 =	sld [smem:$0x3FAE]  }
0x2b: {  	s6 =	sld [smem:$0x3FAF]  }
0x2c: {  	s7 =	sld [smem:$0x3FB0]  }
0x2d: {  	s3 =	simm.s32 $0x108;
	s8 =	sld [smem:$0x3FB1]  }
0x2e: {  	s3 =	simm.s32 @!p0 $0x1082;
	s9 =	sld [smem:$0x3FB2]  }
0x2f: {  	lr =	sadd.s32 s0, s3;
	s0 =	sld [smem:$0x3FA9]  }
0x30: {  	s3 =	sld [smem:$0x3FAC]  }
0x31: {  	[smem:$0x3FB5] =	sst s10  }
0x32: {  	s10 =	sld [smem:$0x3FB3];
	_ =	sdelay $0x3  }
0x33: {  	p0 =	seq.s32 s10, $0x1;
	s10 =	sld [smem:$0x3FB5];
	_ =	sdelay $0x3  }
0x34: {  	[smem:$0x3FB5] =	sst s10  }
0x35: {  	s10 =	sld [smem:$0x3FB4];
	_ =	sdelay $0x3  }
0x36: {  	p1 =	seq.s32 s10, $0x1;
	s10 =	sld [smem:$0x3FB5];
	_ =	sdelay $0x3  }
0x37: {  	[smem:$0x3FB5] =	sst s10  }
0x38: {  	s10 =	sld [smem:$0x3FB6]  }
0x39: {  	_ = 	snop;
	(pc) =	sbr.ind lr, $3  }
0x3a: {  	_ = 	snop  }
0x3b: {  	_ = 	snop  }
0x3c: {  	p2 =	seq.s32 s10, $0x1;
	s10 =	sld [smem:$0x3FB5]  }
0x3d: {  	_ =	shalt  }
0x3e: {  	_ =	shalt  }
0x3f: {  	_ =	shalt  }
0x40: {  	_ =	shalt  }
0x41: {  	_ =	shalt  }
0x42: {  	_ =	shalt  }
0x43: {  	_ =	shalt  }
0x44: {  	_ =	shalt  }
0x45: {  	_ =	shalt  }
0x46: {  	_ =	shalt  }
0x47: {  	_ =	shalt  }
0x48: {  	_ =	shalt  }
0x49: {  	_ =	shalt  }
0x4a: {  	_ =	shalt  }
0x4b: {  	_ =	shalt  }
0x4c: {  	_ =	shalt  }
0x4d: {  	_ =	shalt  }
0x4e: {  	_ =	shalt  }
0x4f: {  	_ =	shalt  }
0x50: {  	_ =	shalt  }
0x51: {  	_ =	shalt  }
0x52: {  	_ =	shalt  }
0x53: {  	_ =	shalt  }
0x54: {  	_ =	shalt  }
0x55: {  	_ =	shalt  }
0x56: {  	_ =	shalt  }
0x57: {  	_ =	shalt  }
0x58: {  	_ =	shalt  }
0x59: {  	_ =	shalt  }
0x5a: {  	_ =	shalt  }
0x5b: {  	_ =	shalt  }
0x5c: {  	_ =	shalt  }
0x5d: {  	_ =	shalt  }
0x5e: {  	_ =	shalt  }
0x5f: {  	_ =	shalt  }
0x60: {  	_ =	shalt  }
0x61: {  	_ =	shalt  }
0x62: {  	_ =	shalt  }
0x63: {  	_ =	shalt  }
0x64: {  	_ =	shalt  }
0x65: {  	_ =	shalt  }
0x66: {  	_ =	shalt  }
0x67: {  	_ =	shalt  }
0x68: {  	_ =	shalt  }
0x69: {  	_ =	shalt  }
0x6a: {  	_ =	shalt  }
0x6b: {  	_ =	shalt  }
0x6c: {  	_ =	shalt  }
0x6d: {  	_ =	shalt  }
0x6e: {  	_ =	shalt  }
0x6f: {  	_ =	shalt  }
0x70: {  	_ =	shalt  }
0x71: {  	_ =	shalt  }
0x72: {  	_ =	shalt  }
0x73: {  	_ =	shalt  }
0x74: {  	_ =	shalt  }
0x75: {  	_ =	shalt  }
0x76: {  	_ =	shalt  }
0x77: {  	_ =	shalt  }
0x78: {  	_ =	shalt  }
0x79: {  	_ =	shalt  }
0x7a: {  	_ =	shalt  }
0x7b: {  	_ =	shalt  }
0x7c: {  	_ =	shalt  }
0x7d: {  	_ =	shalt  }
0x7e: {  	_ =	shalt  }
0x7f: {  	_ =	shalt  }
0x80: {  	_ =	shalt  }
0x81: {  	_ =	shalt  }
0x82: {  	_ =	shalt  }
0x83: {  	_ =	shalt  }
0x84: {  	_ =	shalt  }
0x85: {  	_ =	shalt  }
0x86: {  	_ =	shalt  }
0x87: {  	_ =	shalt  }
.Lfunc_end0:
.L_simem_size_0:
called_computation.1_lowered:
.L_overlay_start_0:
0x88: {  	s2 =	sld [smem:$0x3FD9]  }
0x89: {  	s3 =	sld [smem:$0x3FFE];
	_ =	sdelay $0x1  }
0x8a: {  	s1 =	srdreg.scid  }
0x8b: {  	s0 =	sand.u32 $0x1, s1  }
0x8c: {  	s17 =	sshll.u32 s0, $0xA;
	s2 =	sadd.s32 s3, s2  }
0x8d: {  	s2 =	sadd.s32 s2, s17  }
0x8e: {  	[smem:$0x3FC1] =	sst s2  }
0x8f: {  	_ = 	snop  }
0x90: {  	s2 =	sld [smem:$0x3FD0];
	(tm) =	ssettm $0x1  }
0x91: {  	s18 =	sld [smem:$0x3FFB];
	_ =	sdelay $0x3  }
0x92: {  	_ =	strace s18  }
0x93: {  	s3 =	sld [smem:$0x3FFC];
	_ =	sdelay $0x3  }
0x94: {  	_ =	strace s3  }
0x95: {  	s3 =	sld [smem:$0x3FFD];
	_ =	sdelay $0x3  }
0x96: {  	_ =	strace s3  }
0x97: {  	_ =	strace $0x8FFFFFFF  }
0x98: {  	s19 =	sld [smem:$0x3FDB];
	_ =	sdelay $0x1  }
0x99: {  	s4 =	simm.s32 $_scs_section_size  }
0x9a: {  	s5 =	simm.s32 $_size__tile_overlayer_lowered;
	s6 =	simm.s32 $_tile_overlayer_lowered  }
0x9b: {  	s22 =	simm.s32 $0x1BFF;
	s21 =	sshll.u32 s6, $0x1;
	s3 =	sadd.s32 s4, s19  }
0x9c: {  	s7 =	simm.s32 $0x0;
	s20 =	sshll.u32 s5, $0x1;
	s5 =	sadd.s32 s21, s3  }
0x9d: {  	[timem:s7], [sflag:s22] =	dma.local [hbm:s5], s20  }
0x9e: {  	_ =	swait.ge [sflag:s22], s20  }
0x9f: {  	s4 =	ssub.s32 $0x0, s20;
	[sflag:s22] =	ssyncset.done $0x0  }
0xa0: {  	[sflag:s22] =	ssyncadd.s32 s4;
	_ =	sdelay $0x1  }
0xa1: {  	s23 =	simm.s32 $0x1B8B  }
0xa2: {  	_ =	swait.ge [sflag:s23], $0x1  }
0xa3: {  	[sflag:s23] =	ssyncset.done $0x0  }
0xa4: {  	s25 =	simm.s32 $0x1B8E;
	s24 =	sld [smem:$0x3FFE];
	[sflag:s23] =	ssyncadd.s32 $0xFFFFFFFF  }
0xa5: {  	s26 =	simm.s32 $execute0_lowered;
	[smem:$0x3FD2] =	sst s25  }
0xa6: {  	s5 =	sshll.u32 s26, $0x1;
	_ =	strace $0x80000049;
	[dreg:$0x1] =	wrdreg $0xFFFFFFFF  }
0xa7: {  	s28 =	simm.s32 $_size_execute0_lowered;
	s3 =	sadd.s32 s3, s5;
	[dreg:$0x0] =	wrdreg $0x0  }
0xa8: {  	s5 =	sshll.u32 s28, $0x1;
	[dreg:$0x2] =	wrdreg s3  }
0xa9: {  	[dreg:$0x3] =	wrdreg s5  }
0xaa: {  	[dreg:$0x4] =	wrdreg $0xC0  }
0xab: {  	_ =	task [dreg:s7], $0x5FFFF  }
0xac: {  	[dreg:$0x1] =	wrdreg $0xFFFFFFFF  }
0xad: {  	[dreg:$0x0] =	wrdreg $0x60  }
0xae: {  	[dreg:$0x2] =	wrdreg s24  }
0xaf: {  	[dreg:$0x3] =	wrdreg s2  }
0xb0: {  	[dreg:$0x4] =	wrdreg $0x9  }
0xb1: {  	_ =	task.clear_ibuf [dreg:s7], $0x5FFFF;
	_ =	strace $0x90000049  }
0xb2: {  	s29 =	simm.s32 $0x9;
	_ =	strace $0x8000004B  }
0xb3: {  	_ =	swait.ge [sflag:s29], $0x1  }
0xb4: {  	[sflag:s29] =	ssyncadd.s32 $0xFFFFFFFF  }
0xb5: {  	_ =	strace $0x9000004B  }
0xb6: {  	_ =	sfence  }
0xb7: {  	s30 =	sld [smem:$0x0];
	_ =	sdelay $0x2  }
0xb8: {  	s31 =	sshll.u32 s1, $0xD;
	s1 =	sshrl.u32 s1, $0x2  }
0xb9: {  	s3 =	sand.u32 $0x4000, s31;
	s1 =	sadd.s32 s1, s30  }
0xba: {  	s0 =	sor.u32 s3, s0;
	s1 =	sshll.u32 s1, $0x11  }
0xbb: {  	s0 =	sor.u32 s1, s0  }
0xbc: {  	s0 =	sadd.s32 $0x8F2B, s0  }
0xbd: {  	[sflag:s0] =	ssyncadd.remote.s32 $0x1  }
0xbe: {  	_ =	sfence.sel $0xFFFF  }
0xbf: {  	[dreg:$0x0] =	wrdreg $0xFFFFFFFF;
	(pc) =	sbr.abs _section_cstart, $3  }
0xc0: {  	[dreg:$0x1] =	wrdreg $0xFFFFFFFF  }
0xc1: {  	_ =	task.clear_ibuf [dreg:s7], $0x2FFFF;
	_ =	strace $0x9FFFFFFF  }
0xc2: {  	(tm) =	ssettm $0x7FFFFFFF  }
0xc3: {  	_ =	shalt  }
tec
execute0_lowered:
.L_overlay_start_1:
0x0: {  	(tag) =	ssettag $0x1  }
0x1: {  	s0 =	rddreg [dreg:$0x0]  }
0x2: {  	s1 =	rddreg [dreg:$0x1]  }
0x3: {  	s2 =	srdreg.scid;
	s3 =	stileid.u32;
	s28 =	simm.s32 $0x80  }
0x4: {  	s4 =	sand.u32 $0x1, s2;
	s2 =	simm.s32 $0x0;
	s3 =	sshll.u32 s3, $0x7  }
0x5: {  	s5 =	sshll.u32 s4, $0x6;
	[smem:$0x7FF] =	sst s2;
	s4 =	ssub.s32 $0x2, s4  }
0x6: {  	s5 =	sor.u32 s5, s3;
	_ =	strace $0x8000004A;
	s3 =	sadd.s32 $0x800, s0  }
0x7: {  	s30 =	sshrl.u32 s4, $0x1;
	s6 =	smul.u32 $0x300, s5;
	s7 =	sadd.s32 s0, s5  }
0x8: {  	s8 =	sor.u32 $0x10, s5;
	s22 =	sor.u32 $0x20, s5;
	s5 =	sor.u32 $0x30, s5  }
0x9: {  	s31 =	ssub.s32 s4, s30;
	[dreg:$0x3] =	wrdreg s7;
	s21 =	sadd.s32 s0, s8  }
0xa: {  	s20 =	smul.u32 $0x300, s8;
	s25 =	sadd.s32 s0, s22;
	[dreg:$0x5] =	wrdreg s21  }
0xb: {  	s29 =	smul.u32 $0x300, s5;
	s5 =	sadd.s32 s0, s5;
	[dreg:$0x7] =	wrdreg s25  }
0xc: {  	s24 =	smul.u32 $0x300, s22;
	s6 =	sadd.s32 s1, s6;
	[dreg:$0x9] =	wrdreg s5  }
0xd: {  	s4 =	sadd.s32 $0x900, s0;
	[dreg:$0x4] =	wrdreg s6;
	s23 =	sadd.s32 s1, s20  }
0xe: {  	v2 =	vlaneseq.u32;
	s7 =	simm.s32 $0x2;
	s26 =	sadd.s32 s1, s24;
	[dreg:$0x6] =	wrdreg s23  }
0xf: {  	vm0 =	vmmov $0xffff;
	v1 =	vshrl.u32 v2, $0x3;
	s5 =	sadd.s32 $0xA00, s0;
	s1 =	sadd.s32 s1, s29;
	[dreg:$0x8] =	wrdreg s26  }
0x10: {  	v0 =	vand.u32 $0x7, v2;
	v2 =	vor.u32 $0x8, v2;
	v1 =	vmul.u32 $0x8, v1;
	s6 =	smax.u32 s31, $0x1;
	[dreg:$0xa] =	wrdreg s1;
	s1 =	simm.s32 $0x1  }
.LBB2_1:
0x11: {  	s9 =	rddreg [dreg:$0x3]  }
0x12: {  	[tilespmem:s2], [sflag:$0x2] =	stream.linear.gather [hbm4b:s9+s2], $0x80, $0x38;
	[tilespmem:$0x18080] =	vst v63  }
0x13: {  	_ =	swait.ge [sflag:s7], $0x80  }
0x14: {  	[sflag:s7] =	ssyncset.done $0x0  }
0x15: {  	[sflag:s7] =	ssyncadd.s32 $0xFFFFFF80  }
0x16: {  	v3 =	vld [tilespmem:$0x0];
	_ =	sdelay $0x4  }
0x17: {  	v4 =	vshrl.u32 v3, $0x3  }
0x18: {  	v4 =	vmul.u32 $0x30, v4  }
0x19: {  	v3 =	vand.u32 $0x7, v3  }
0x1a: {  	v3 =	vor.u32 v3, v4  }
0x1b: {  	v4 =	vperm.xlane v3, v0;
	_ =	sdelay $0x1  }
0x1c: {  	v4 =	vadd.s32 v1, v4;
	_ =	sdelay $0x3  }
0x1d: {  	v3 =	vperm.xlane v3, v2  }
0x1e: {  	[tilespmem:s28], [sflag:$0x1] =	stream.indirect_vreg.gather [hbm4b:s3+s2], $0x80, v4, vm0, $0xb8;
	[tilespmem:$0x18080] =	vst v63  }
0x1f: {  	s0 =	simm.s32 $0x880;
	v3 =	vadd.s32 v1, v3  }
0x20: {  	[tilespmem:s0], [sflag:$0x1] =	stream.indirect_vreg.gather [hbm4b:s4+s2], $0x80, v4, vm0, $0xb8;
	[tilespmem:$0x18080] =	vst v63  }
0x21: {  	s15 =	simm.s32 $0x1080  }
0x22: {  	[tilespmem:s15], [sflag:$0x1] =	stream.indirect_vreg.gather [hbm4b:s5+s2], $0x80, v4, vm0, $0xb8;
	[tilespmem:$0x18080] =	vst v63  }
0x23: {  	s16 =	simm.s32 $0x1880  }
0x24: {  	[tilespmem:s16], [sflag:$0x1] =	stream.indirect_vreg.gather [hbm4b:s3+s2], $0x80, v3, vm0, $0xb8;
	[tilespmem:$0x18080] =	vst v63  }
0x25: {  	s17 =	simm.s32 $0x2080  }
0x26: {  	[tilespmem:s17], [sflag:$0x1] =	stream.indirect_vreg.gather [hbm4b:s4+s2], $0x80, v3, vm0, $0xb8;
	[tilespmem:$0x18080] =	vst v63  }
0x27: {  	s18 =	simm.s32 $0x2880  }
0x28: {  	[tilespmem:s18], [sflag:$0x1] =	stream.indirect_vreg.gather [hbm4b:s5+s2], $0x80, v3, vm0, $0xb8;
	[tilespmem:$0x18080] =	vst v63  }
0x29: {  	v3 =	vld [tilespmem:$0x10];
	_ =	sdelay $0x4  }
0x2a: {  	v33 =	vshrl.u32 v3, $0x3  }
0x2b: {  	v4 =	vmul.u32 $0x30, v33  }
0x2c: {  	v3 =	vand.u32 $0x7, v3  }
0x2d: {  	v3 =	vor.u32 v3, v4  }
0x2e: {  	v4 =	vperm.xlane v3, v0;
	_ =	sdelay $0x1  }
0x2f: {  	v4 =	vadd.s32 v1, v4;
	_ =	sdelay $0x3  }
0x30: {  	s19 =	simm.s32 $0x3080;
	v3 =	vperm.xlane v3, v2  }
0x31: {  	[tilespmem:s19], [sflag:$0x1] =	stream.indirect_vreg.gather [hbm4b:s3+s2], $0x80, v4, vm0, $0xb8;
	[tilespmem:$0x18080] =	vst v63  }
0x32: {  	s20 =	simm.s32 $0x3880;
	v3 =	vadd.s32 v1, v3  }
0x33: {  	[tilespmem:s20], [sflag:$0x1] =	stream.indirect_vreg.gather [hbm4b:s4+s2], $0x80, v4, vm0, $0xb8;
	[tilespmem:$0x18080] =	vst v63  }
0x34: {  	s21 =	simm.s32 $0x4080  }
0x35: {  	[tilespmem:s21], [sflag:$0x1] =	stream.indirect_vreg.gather [hbm4b:s5+s2], $0x80, v4, vm0, $0xb8;
	[tilespmem:$0x18080] =	vst v63  }
0x36: {  	s22 =	simm.s32 $0x4880  }
0x37: {  	[tilespmem:s22], [sflag:$0x1] =	stream.indirect_vreg.gather [hbm4b:s3+s2], $0x80, v3, vm0, $0xb8;
	[tilespmem:$0x18080] =	vst v63  }
0x38: {  	s23 =	simm.s32 $0x5080  }
0x39: {  	[tilespmem:s23], [sflag:$0x1] =	stream.indirect_vreg.gather [hbm4b:s4+s2], $0x80, v3, vm0, $0xb8;
	[tilespmem:$0x18080] =	vst v63  }
0x3a: {  	s24 =	simm.s32 $0x5880  }
0x3b: {  	[tilespmem:s24], [sflag:$0x1] =	stream.indirect_vreg.gather [hbm4b:s5+s2], $0x80, v3, vm0, $0xb8;
	[tilespmem:$0x18080] =	vst v63  }
0x3c: {  	v3 =	vld [tilespmem:$0x20];
	_ =	sdelay $0x4  }
0x3d: {  	v34 =	vshrl.u32 v3, $0x3  }
0x3e: {  	v4 =	vmul.u32 $0x30, v34  }
0x3f: {  	v3 =	vand.u32 $0x7, v3  }
0x40: {  	v3 =	vor.u32 v3, v4  }
0x41: {  	v4 =	vperm.xlane v3, v0;
	_ =	sdelay $0x1  }
0x42: {  	v4 =	vadd.s32 v1, v4;
	_ =	sdelay $0x3  }
0x43: {  	s25 =	simm.s32 $0x6080;
	v3 =	vperm.xlane v3, v2  }
0x44: {  	[tilespmem:s25], [sflag:$0x1] =	stream.indirect_vreg.gather [hbm4b:s3+s2], $0x80, v4, vm0, $0xb8;
	[tilespmem:$0x18080] =	vst v63  }
0x45: {  	s26 =	simm.s32 $0x6880;
	v3 =	vadd.s32 v1, v3  }
0x46: {  	[tilespmem:s26], [sflag:$0x1] =	stream.indirect_vreg.gather [hbm4b:s4+s2], $0x80, v4, vm0, $0xb8;
	[tilespmem:$0x18080] =	vst v63  }
0x47: {  	s29 =	simm.s32 $0x7080  }
0x48: {  	[tilespmem:s29], [sflag:$0x1] =	stream.indirect_vreg.gather [hbm4b:s5+s2], $0x80, v4, vm0, $0xb8;
	[tilespmem:$0x18080] =	vst v63  }
0x49: {  	s30 =	simm.s32 $0x7880  }
0x4a: {  	[tilespmem:s30], [sflag:$0x1] =	stream.indirect_vreg.gather [hbm4b:s3+s2], $0x80, v3, vm0, $0xb8;
	[tilespmem:$0x18080] =	vst v63  }
0x4b: {  	s31 =	simm.s32 $0x8080  }
0x4c: {  	[tilespmem:s31], [sflag:$0x1] =	stream.indirect_vreg.gather [hbm4b:s4+s2], $0x80, v3, vm0, $0xb8;
	[tilespmem:$0x18080] =	vst v63  }
0x4d: {  	s8 =	simm.s32 $0x8880  }
0x4e: {  	[tilespmem:s8], [sflag:$0x1] =	stream.indirect_vreg.gather [hbm4b:s5+s2], $0x80, v3, vm0, $0xb8;
	[tilespmem:$0x18080] =	vst v63  }
0x4f: {  	v3 =	vld [tilespmem:$0x30];
	_ =	sdelay $0x4  }
0x50: {  	v35 =	vshrl.u32 v3, $0x3  }
0x51: {  	v4 =	vmul.u32 $0x30, v35  }
0x52: {  	v3 =	vand.u32 $0x7, v3  }
0x53: {  	v3 =	vor.u32 v3, v4  }
0x54: {  	v4 =	vperm.xlane v3, v0;
	_ =	sdelay $0x1  }
0x55: {  	v4 =	vadd.s32 v1, v4;
	_ =	sdelay $0x3  }
0x56: {  	s9 =	simm.s32 $0x9080;
	v3 =	vperm.xlane v3, v2  }
0x57: {  	[tilespmem:s9], [sflag:$0x1] =	stream.indirect_vreg.gather [hbm4b:s3+s2], $0x80, v4, vm0, $0xb8;
	[tilespmem:$0x18080] =	vst v63  }
0x58: {  	s10 =	simm.s32 $0x9880;
	v3 =	vadd.s32 v1, v3  }
0x59: {  	[tilespmem:s10], [sflag:$0x1] =	stream.indirect_vreg.gather [hbm4b:s4+s2], $0x80, v4, vm0, $0xb8;
	[tilespmem:$0x18080] =	vst v63  }
0x5a: {  	s11 =	simm.s32 $0xA080  }
0x5b: {  	[tilespmem:s11], [sflag:$0x1] =	stream.indirect_vreg.gather [hbm4b:s5+s2], $0x80, v4, vm0, $0xb8;
	[tilespmem:$0x18080] =	vst v63  }
0x5c: {  	s14 =	simm.s32 $0xA880  }
0x5d: {  	[tilespmem:s14], [sflag:$0x1] =	stream.indirect_vreg.gather [hbm4b:s3+s2], $0x80, v3, vm0, $0xb8;
	[tilespmem:$0x18080] =	vst v63  }
0x5e: {  	s15 =	simm.s32 $0xB080  }
0x5f: {  	[tilespmem:s15], [sflag:$0x1] =	stream.indirect_vreg.gather [hbm4b:s4+s2], $0x80, v3, vm0, $0xb8;
	[tilespmem:$0x18080] =	vst v63  }
0x60: {  	s18 =	simm.s32 $0xB880  }
0x61: {  	[tilespmem:s18], [sflag:$0x1] =	stream.indirect_vreg.gather [hbm4b:s5+s2], $0x80, v3, vm0, $0xb8;
	[tilespmem:$0x18080] =	vst v63  }
0x62: {  	v3 =	vld [tilespmem:$0x40];
	_ =	sdelay $0x4  }
0x63: {  	v36 =	vshrl.u32 v3, $0x3  }
0x64: {  	v4 =	vmul.u32 $0x30, v36  }
0x65: {  	v3 =	vand.u32 $0x7, v3  }
0x66: {  	v3 =	vor.u32 v3, v4  }
0x67: {  	v4 =	vperm.xlane v3, v0;
	_ =	sdelay $0x1  }
0x68: {  	v4 =	vadd.s32 v1, v4;
	_ =	sdelay $0x3  }
0x69: {  	s19 =	simm.s32 $0xC080;
	v3 =	vperm.xlane v3, v2  }
0x6a: {  	[tilespmem:s19], [sflag:$0x1] =	stream.indirect_vreg.gather [hbm4b:s3+s2], $0x80, v4, vm0, $0xb8;
	[tilespmem:$0x18080] =	vst v63  }
0x6b: {  	s22 =	simm.s32 $0xC880;
	v3 =	vadd.s32 v1, v3  }
0x6c: {  	[tilespmem:s22], [sflag:$0x1] =	stream.indirect_vreg.gather [hbm4b:s4+s2], $0x80, v4, vm0, $0xb8;
	[tilespmem:$0x18080] =	vst v63  }
0x6d: {  	s25 =	simm.s32 $0xD080  }
0x6e: {  	[tilespmem:s25], [sflag:$0x1] =	stream.indirect_vreg.gather [hbm4b:s5+s2], $0x80, v4, vm0, $0xb8;
	[tilespmem:$0x18080] =	vst v63  }
0x6f: {  	s26 =	simm.s32 $0xD880  }
0x70: {  	[tilespmem:s26], [sflag:$0x1] =	stream.indirect_vreg.gather [hbm4b:s3+s2], $0x80, v3, vm0, $0xb8;
	[tilespmem:$0x18080] =	vst v63  }
0x71: {  	s29 =	simm.s32 $0xE080  }
0x72: {  	[tilespmem:s29], [sflag:$0x1] =	stream.indirect_vreg.gather [hbm4b:s4+s2], $0x80, v3, vm0, $0xb8;
	[tilespmem:$0x18080] =	vst v63  }
0x73: {  	s30 =	simm.s32 $0xE880  }
0x74: {  	[tilespmem:s30], [sflag:$0x1] =	stream.indirect_vreg.gather [hbm4b:s5+s2], $0x80, v3, vm0, $0xb8;
	[tilespmem:$0x18080] =	vst v63  }
0x75: {  	v3 =	vld [tilespmem:$0x50];
	_ =	sdelay $0x4  }
0x76: {  	v37 =	vshrl.u32 v3, $0x3  }
0x77: {  	v4 =	vmul.u32 $0x30, v37  }
0x78: {  	v3 =	vand.u32 $0x7, v3  }
0x79: {  	v3 =	vor.u32 v3, v4  }
0x7a: {  	v4 =	vperm.xlane v3, v0;
	_ =	sdelay $0x1  }
0x7b: {  	v4 =	vadd.s32 v1, v4;
	_ =	sdelay $0x3  }
0x7c: {  	s31 =	simm.s32 $0xF080;
	v3 =	vperm.xlane v3, v2  }
0x7d: {  	[tilespmem:s31], [sflag:$0x1] =	stream.indirect_vreg.gather [hbm4b:s3+s2], $0x80, v4, vm0, $0xb8;
	[tilespmem:$0x18080] =	vst v63  }
0x7e: {  	s0 =	simm.s32 $0xF880;
	v3 =	vadd.s32 v1, v3  }
0x7f: {  	[tilespmem:s0], [sflag:$0x1] =	stream.indirect_vreg.gather [hbm4b:s4+s2], $0x80, v4, vm0, $0xb8;
	[tilespmem:$0x18080] =	vst v63  }
0x80: {  	s8 =	simm.s32 $0x10080  }
0x81: {  	[tilespmem:s8], [sflag:$0x1] =	stream.indirect_vreg.gather [hbm4b:s5+s2], $0x80, v4, vm0, $0xb8;
	[tilespmem:$0x18080] =	vst v63  }
0x82: {  	s10 =	simm.s32 $0x10880  }
0x83: {  	[tilespmem:s10], [sflag:$0x1] =	stream.indirect_vreg.gather [hbm4b:s3+s2], $0x80, v3, vm0, $0xb8;
	[tilespmem:$0x18080] =	vst v63  }
0x84: {  	s11 =	simm.s32 $0x11080  }
0x85: {  	[tilespmem:s11], [sflag:$0x1] =	stream.indirect_vreg.gather [hbm4b:s4+s2], $0x80, v3, vm0, $0xb8;
	[tilespmem:$0x18080] =	vst v63  }
0x86: {  	s14 =	simm.s32 $0x11880  }
0x87: {  	[tilespmem:s14], [sflag:$0x1] =	stream.indirect_vreg.gather [hbm4b:s5+s2], $0x80, v3, vm0, $0xb8;
	[tilespmem:$0x18080] =	vst v63  }
0x88: {  	v3 =	vld [tilespmem:$0x60];
	_ =	sdelay $0x4  }
0x89: {  	v38 =	vshrl.u32 v3, $0x3  }
0x8a: {  	v4 =	vmul.u32 $0x30, v38  }
0x8b: {  	v3 =	vand.u32 $0x7, v3  }
0x8c: {  	v3 =	vor.u32 v3, v4  }
0x8d: {  	v4 =	vperm.xlane v3, v0;
	_ =	sdelay $0x1  }
0x8e: {  	v4 =	vadd.s32 v1, v4;
	_ =	sdelay $0x3  }
0x8f: {  	s15 =	simm.s32 $0x12080;
	v3 =	vperm.xlane v3, v2  }
0x90: {  	[tilespmem:s15], [sflag:$0x1] =	stream.indirect_vreg.gather [hbm4b:s3+s2], $0x80, v4, vm0, $0xb8;
	[tilespmem:$0x18080] =	vst v63  }
0x91: {  	s18 =	simm.s32 $0x12880;
	v3 =	vadd.s32 v1, v3  }
0x92: {  	[tilespmem:s18], [sflag:$0x1] =	stream.indirect_vreg.gather [hbm4b:s4+s2], $0x80, v4, vm0, $0xb8;
	[tilespmem:$0x18080] =	vst v63  }
0x93: {  	s19 =	simm.s32 $0x13080  }
0x94: {  	[tilespmem:s19], [sflag:$0x1] =	stream.indirect_vreg.gather [hbm4b:s5+s2], $0x80, v4, vm0, $0xb8;
	[tilespmem:$0x18080] =	vst v63  }
0x95: {  	s22 =	simm.s32 $0x13880  }
0x96: {  	[tilespmem:s22], [sflag:$0x1] =	stream.indirect_vreg.gather [hbm4b:s3+s2], $0x80, v3, vm0, $0xb8;
	[tilespmem:$0x18080] =	vst v63  }
0x97: {  	s31 =	simm.s32 $0x14080  }
0x98: {  	[tilespmem:s31], [sflag:$0x1] =	stream.indirect_vreg.gather [hbm4b:s4+s2], $0x80, v3, vm0, $0xb8;
	[tilespmem:$0x18080] =	vst v63  }
0x99: {  	s0 =	simm.s32 $0x14880  }
0x9a: {  	[tilespmem:s0], [sflag:$0x1] =	stream.indirect_vreg.gather [hbm4b:s5+s2], $0x80, v3, vm0, $0xb8;
	[tilespmem:$0x18080] =	vst v63  }
0x9b: {  	v3 =	vld [tilespmem:$0x70];
	_ =	sdelay $0x4  }
0x9c: {  	v39 =	vshrl.u32 v3, $0x3  }
0x9d: {  	v4 =	vmul.u32 $0x30, v39  }
0x9e: {  	v3 =	vand.u32 $0x7, v3  }
0x9f: {  	v3 =	vor.u32 v3, v4  }
0xa0: {  	v4 =	vperm.xlane v3, v0;
	_ =	sdelay $0x1  }
0xa1: {  	v4 =	vadd.s32 v1, v4;
	_ =	sdelay $0x3  }
0xa2: {  	s8 =	simm.s32 $0x15080;
	v3 =	vperm.xlane v3, v2  }
0xa3: {  	[tilespmem:s8], [sflag:$0x1] =	stream.indirect_vreg.gather [hbm4b:s3+s2], $0x80, v4, vm0, $0xb8;
	[tilespmem:$0x18080] =	vst v63  }
0xa4: {  	s10 =	simm.s32 $0x15880;
	v3 =	vadd.s32 v1, v3  }
0xa5: {  	[tilespmem:s10], [sflag:$0x1] =	stream.indirect_vreg.gather [hbm4b:s4+s2], $0x80, v4, vm0, $0xb8;
	[tilespmem:$0x18080] =	vst v63  }
0xa6: {  	s11 =	simm.s32 $0x16080  }
0xa7: {  	[tilespmem:s11], [sflag:$0x1] =	stream.indirect_vreg.gather [hbm4b:s5+s2], $0x80, v4, vm0, $0xb8;
	[tilespmem:$0x18080] =	vst v63  }
0xa8: {  	s14 =	simm.s32 $0x16880  }
0xa9: {  	[tilespmem:s14], [sflag:$0x1] =	stream.indirect_vreg.gather [hbm4b:s3+s2], $0x80, v3, vm0, $0xb8;
	[tilespmem:$0x18080] =	vst v63  }
0xaa: {  	s15 =	simm.s32 $0x17080  }
0xab: {  	[tilespmem:s15], [sflag:$0x1] =	stream.indirect_vreg.gather [hbm4b:s4+s2], $0x80, v3, vm0, $0xb8;
	[tilespmem:$0x18080] =	vst v63  }
0xac: {  	s18 =	simm.s32 $0x17880  }
0xad: {  	[tilespmem:s18], [sflag:$0x1] =	stream.indirect_vreg.gather [hbm4b:s5+s2], $0x80, v3, vm0, $0xb8;
	[tilespmem:$0x18080] =	vst v63  }
0xae: {  	_ =	swait.ge [sflag:s1], $0x18000  }
0xaf: {  	[sflag:s1] =	ssyncset.done $0x0  }
0xb0: {  	s19 =	rddreg [dreg:$0x4];
	[sflag:s1] =	ssyncadd.s32 $0xFFFE8000  }
0xb1: {  	[hbm4b:s19+s2] =	stream.linear.scatter [tilespmem:s28], [sflag:$0x2], $0x18000, $0x38;
	[tilespmem:$0x18080] =	vst v63  }
0xb2: {  	_ =	swait.ge [sflag:s7], $0x18000  }
0xb3: {  	[sflag:s7] =	ssyncset.done $0x0  }
0xb4: {  	s22 =	rddreg [dreg:$0x5];
	[sflag:s7] =	ssyncadd.s32 $0xFFFE8000  }
0xb5: {  	[tilespmem:s2], [sflag:$0x2] =	stream.linear.gather [hbm4b:s22+s2], $0x80, $0x38;
	[tilespmem:$0x18080] =	vst v63  }
0xb6: {  	_ =	swait.ge [sflag:s7], $0x80  }
0xb7: {  	[sflag:s7] =	ssyncset.done $0x0  }
0xb8: {  	[sflag:s7] =	ssyncadd.s32 $0xFFFFFF80  }
0xb9: {  	v3 =	vld [tilespmem:$0x0];
	_ =	sdelay $0x4  }
0xba: {  	v40 =	vshrl.u32 v3, $0x3  }
0xbb: {  	v4 =	vmul.u32 $0x30, v40  }
0xbc: {  	v3 =	vand.u32 $0x7, v3  }
0xbd: {  	v3 =	vor.u32 v3, v4  }
0xbe: {  	v4 =	vperm.xlane v3, v0;
	_ =	sdelay $0x1  }
0xbf: {  	v4 =	vadd.s32 v1, v4;
	_ =	sdelay $0x3  }
0xc0: {  	v3 =	vperm.xlane v3, v2  }
0xc1: {  	[tilespmem:s28], [sflag:$0x1] =	stream.indirect_vreg.gather [hbm4b:s3+s2], $0x80, v4, vm0, $0xb8;
	[tilespmem:$0x18080] =	vst v63  }
0xc2: {  	s0 =	simm.s32 $0x880;
	v3 =	vadd.s32 v1, v3  }
0xc3: {  	[tilespmem:s0], [sflag:$0x1] =	stream.indirect_vreg.gather [hbm4b:s4+s2], $0x80, v4, vm0, $0xb8;
	[tilespmem:$0x18080] =	vst v63  }
0xc4: {  	s8 =	simm.s32 $0x1080  }
0xc5: {  	[tilespmem:s8], [sflag:$0x1] =	stream.indirect_vreg.gather [hbm4b:s5+s2], $0x80, v4, vm0, $0xb8;
	[tilespmem:$0x18080] =	vst v63  }
0xc6: {  	s10 =	simm.s32 $0x1880  }
0xc7: {  	[tilespmem:s10], [sflag:$0x1] =	stream.indirect_vreg.gather [hbm4b:s3+s2], $0x80, v3, vm0, $0xb8;
	[tilespmem:$0x18080] =	vst v63  }
0xc8: {  	s11 =	simm.s32 $0x2080  }
0xc9: {  	[tilespmem:s11], [sflag:$0x1] =	stream.indirect_vreg.gather [hbm4b:s4+s2], $0x80, v3, vm0, $0xb8;
	[tilespmem:$0x18080] =	vst v63  }
0xca: {  	s12 =	simm.s32 $0x2880  }
0xcb: {  	[tilespmem:s12], [sflag:$0x1] =	stream.indirect_vreg.gather [hbm4b:s5+s2], $0x80, v3, vm0, $0xb8;
	[tilespmem:$0x18080] =	vst v63  }
0xcc: {  	v3 =	vld [tilespmem:$0x10];
	_ =	sdelay $0x4  }
0xcd: {  	v41 =	vshrl.u32 v3, $0x3  }
0xce: {  	v4 =	vmul.u32 $0x30, v41  }
0xcf: {  	v3 =	vand.u32 $0x7, v3  }
0xd0: {  	v3 =	vor.u32 v3, v4  }
0xd1: {  	v4 =	vperm.xlane v3, v0;
	_ =	sdelay $0x1  }
0xd2: {  	v4 =	vadd.s32 v1, v4;
	_ =	sdelay $0x3  }
0xd3: {  	s13 =	simm.s32 $0x3080;
	v3 =	vperm.xlane v3, v2  }
0xd4: {  	[tilespmem:s13], [sflag:$0x1] =	stream.indirect_vreg.gather [hbm4b:s3+s2], $0x80, v4, vm0, $0xb8;
	[tilespmem:$0x18080] =	vst v63  }
0xd5: {  	s12 =	simm.s32 $0x3880;
	v3 =	vadd.s32 v1, v3  }
0xd6: {  	[tilespmem:s12], [sflag:$0x1] =	stream.indirect_vreg.gather [hbm4b:s4+s2], $0x80, v4, vm0, $0xb8;
	[tilespmem:$0x18080] =	vst v63  }
0xd7: {  	s13 =	simm.s32 $0x4080  }
0xd8: {  	[tilespmem:s13], [sflag:$0x1] =	stream.indirect_vreg.gather [hbm4b:s5+s2], $0x80, v4, vm0, $0xb8;
	[tilespmem:$0x18080] =	vst v63  }
0xd9: {  	s14 =	simm.s32 $0x4880  }
0xda: {  	[tilespmem:s14], [sflag:$0x1] =	stream.indirect_vreg.gather [hbm4b:s3+s2], $0x80, v3, vm0, $0xb8;
	[tilespmem:$0x18080] =	vst v63  }
0xdb: {  	s15 =	simm.s32 $0x5080  }
0xdc: {  	[tilespmem:s15], [sflag:$0x1] =	stream.indirect_vreg.gather [hbm4b:s4+s2], $0x80, v3, vm0, $0xb8;
	[tilespmem:$0x18080] =	vst v63  }
0xdd: {  	s16 =	simm.s32 $0x5880  }
0xde: {  	[tilespmem:s16], [sflag:$0x1] =	stream.indirect_vreg.gather [hbm4b:s5+s2], $0x80, v3, vm0, $0xb8;
	[tilespmem:$0x18080] =	vst v63  }
0xdf: {  	v3 =	vld [tilespmem:$0x20];
	_ =	sdelay $0x4  }
0xe0: {  	v42 =	vshrl.u32 v3, $0x3  }
0xe1: {  	v4 =	vmul.u32 $0x30, v42  }
0xe2: {  	v3 =	vand.u32 $0x7, v3  }
0xe3: {  	v3 =	vor.u32 v3, v4  }
0xe4: {  	v4 =	vperm.xlane v3, v0;
	_ =	sdelay $0x1  }
0xe5: {  	v4 =	vadd.s32 v1, v4;
	_ =	sdelay $0x3  }
0xe6: {  	s17 =	simm.s32 $0x6080;
	v3 =	vperm.xlane v3, v2  }
0xe7: {  	[tilespmem:s17], [sflag:$0x1] =	stream.indirect_vreg.gather [hbm4b:s3+s2], $0x80, v4, vm0, $0xb8;
	[tilespmem:$0x18080] =	vst v63  }
0xe8: {  	s16 =	simm.s32 $0x6880;
	v3 =	vadd.s32 v1, v3  }
0xe9: {  	[tilespmem:s16], [sflag:$0x1] =	stream.indirect_vreg.gather [hbm4b:s4+s2], $0x80, v4, vm0, $0xb8;
	[tilespmem:$0x18080] =	vst v63  }
0xea: {  	s17 =	simm.s32 $0x7080  }
0xeb: {  	[tilespmem:s17], [sflag:$0x1] =	stream.indirect_vreg.gather [hbm4b:s5+s2], $0x80, v4, vm0, $0xb8;
	[tilespmem:$0x18080] =	vst v63  }
0xec: {  	s18 =	simm.s32 $0x7880  }
0xed: {  	[tilespmem:s18], [sflag:$0x1] =	stream.indirect_vreg.gather [hbm4b:s3+s2], $0x80, v3, vm0, $0xb8;
	[tilespmem:$0x18080] =	vst v63  }
0xee: {  	s19 =	simm.s32 $0x8080  }
0xef: {  	[tilespmem:s19], [sflag:$0x1] =	stream.indirect_vreg.gather [hbm4b:s4+s2], $0x80, v3, vm0, $0xb8;
	[tilespmem:$0x18080] =	vst v63  }
0xf0: {  	s20 =	simm.s32 $0x8880  }
0xf1: {  	[tilespmem:s20], [sflag:$0x1] =	stream.indirect_vreg.gather [hbm4b:s5+s2], $0x80, v3, vm0, $0xb8;
	[tilespmem:$0x18080] =	vst v63  }
0xf2: {  	v3 =	vld [tilespmem:$0x30];
	_ =	sdelay $0x4  }
0xf3: {  	v43 =	vshrl.u32 v3, $0x3  }
0xf4: {  	v4 =	vmul.u32 $0x30, v43  }
0xf5: {  	v3 =	vand.u32 $0x7, v3  }
0xf6: {  	v3 =	vor.u32 v3, v4  }
0xf7: {  	v4 =	vperm.xlane v3, v0;
	_ =	sdelay $0x1  }
0xf8: {  	v4 =	vadd.s32 v1, v4;
	_ =	sdelay $0x3  }
0xf9: {  	s21 =	simm.s32 $0x9080;
	v3 =	vperm.xlane v3, v2  }
0xfa: {  	[tilespmem:s21], [sflag:$0x1] =	stream.indirect_vreg.gather [hbm4b:s3+s2], $0x80, v4, vm0, $0xb8;
	[tilespmem:$0x18080] =	vst v63  }
0xfb: {  	s20 =	simm.s32 $0x9880;
	v3 =	vadd.s32 v1, v3  }
0xfc: {  	[tilespmem:s20], [sflag:$0x1] =	stream.indirect_vreg.gather [hbm4b:s4+s2], $0x80, v4, vm0, $0xb8;
	[tilespmem:$0x18080] =	vst v63  }
0xfd: {  	s21 =	simm.s32 $0xA080  }
0xfe: {  	[tilespmem:s21], [sflag:$0x1] =	stream.indirect_vreg.gather [hbm4b:s5+s2], $0x80, v4, vm0, $0xb8;
	[tilespmem:$0x18080] =	vst v63  }
0xff: {  	s22 =	simm.s32 $0xA880  }
0x100: {  	[tilespmem:s22], [sflag:$0x1] =	stream.indirect_vreg.gather [hbm4b:s3+s2], $0x80, v3, vm0, $0xb8;
	[tilespmem:$0x18080] =	vst v63  }
0x101: {  	s9 =	simm.s32 $0xB080  }
0x102: {  	[tilespmem:s9], [sflag:$0x1] =	stream.indirect_vreg.gather [hbm4b:s4+s2], $0x80, v3, vm0, $0xb8;
	[tilespmem:$0x18080] =	vst v63  }
0x103: {  	s23 =	simm.s32 $0xB880  }
0x104: {  	[tilespmem:s23], [sflag:$0x1] =	stream.indirect_vreg.gather [hbm4b:s5+s2], $0x80, v3, vm0, $0xb8;
	[tilespmem:$0x18080] =	vst v63  }
0x105: {  	v3 =	vld [tilespmem:$0x40];
	_ =	sdelay $0x4  }
0x106: {  	v44 =	vshrl.u32 v3, $0x3  }
0x107: {  	v4 =	vmul.u32 $0x30, v44  }
0x108: {  	v3 =	vand.u32 $0x7, v3  }
0x109: {  	v3 =	vor.u32 v3, v4  }
0x10a: {  	v4 =	vperm.xlane v3, v0;
	_ =	sdelay $0x1  }
0x10b: {  	v4 =	vadd.s32 v1, v4;
	_ =	sdelay $0x3  }
0x10c: {  	s24 =	simm.s32 $0xC080;
	v3 =	vperm.xlane v3, v2  }
0x10d: {  	[tilespmem:s24], [sflag:$0x1] =	stream.indirect_vreg.gather [hbm4b:s3+s2], $0x80, v4, vm0, $0xb8;
	[tilespmem:$0x18080] =	vst v63  }
0x10e: {  	s23 =	simm.s32 $0xC880;
	v3 =	vadd.s32 v1, v3  }
0x10f: {  	[tilespmem:s23], [sflag:$0x1] =	stream.indirect_vreg.gather [hbm4b:s4+s2], $0x80, v4, vm0, $0xb8;
	[tilespmem:$0x18080] =	vst v63  }
0x110: {  	s24 =	simm.s32 $0xD080  }
0x111: {  	[tilespmem:s24], [sflag:$0x1] =	stream.indirect_vreg.gather [hbm4b:s5+s2], $0x80, v4, vm0, $0xb8;
	[tilespmem:$0x18080] =	vst v63  }
0x112: {  	s9 =	simm.s32 $0xD880  }
0x113: {  	[tilespmem:s9], [sflag:$0x1] =	stream.indirect_vreg.gather [hbm4b:s3+s2], $0x80, v3, vm0, $0xb8;
	[tilespmem:$0x18080] =	vst v63  }
0x114: {  	s9 =	simm.s32 $0xE080  }
0x115: {  	[tilespmem:s9], [sflag:$0x1] =	stream.indirect_vreg.gather [hbm4b:s4+s2], $0x80, v3, vm0, $0xb8;
	[tilespmem:$0x18080] =	vst v63  }
0x116: {  	s25 =	simm.s32 $0xE880  }
0x117: {  	[tilespmem:s25], [sflag:$0x1] =	stream.indirect_vreg.gather [hbm4b:s5+s2], $0x80, v3, vm0, $0xb8;
	[tilespmem:$0x18080] =	vst v63  }
0x118: {  	v3 =	vld [tilespmem:$0x50];
	_ =	sdelay $0x4  }
0x119: {  	v45 =	vshrl.u32 v3, $0x3  }
0x11a: {  	v4 =	vmul.u32 $0x30, v45  }
0x11b: {  	v3 =	vand.u32 $0x7, v3  }
0x11c: {  	v3 =	vor.u32 v3, v4  }
0x11d: {  	v4 =	vperm.xlane v3, v0;
	_ =	sdelay $0x1  }
0x11e: {  	v4 =	vadd.s32 v1, v4;
	_ =	sdelay $0x3  }
0x11f: {  	s26 =	simm.s32 $0xF080;
	v3 =	vperm.xlane v3, v2  }
0x120: {  	[tilespmem:s26], [sflag:$0x1] =	stream.indirect_vreg.gather [hbm4b:s3+s2], $0x80, v4, vm0, $0xb8;
	[tilespmem:$0x18080] =	vst v63  }
0x121: {  	s25 =	simm.s32 $0xF880;
	v3 =	vadd.s32 v1, v3  }
0x122: {  	[tilespmem:s25], [sflag:$0x1] =	stream.indirect_vreg.gather [hbm4b:s4+s2], $0x80, v4, vm0, $0xb8;
	[tilespmem:$0x18080] =	vst v63  }
0x123: {  	s26 =	simm.s32 $0x10080  }
0x124: {  	[tilespmem:s26], [sflag:$0x1] =	stream.indirect_vreg.gather [hbm4b:s5+s2], $0x80, v4, vm0, $0xb8;
	[tilespmem:$0x18080] =	vst v63  }
0x125: {  	s25 =	simm.s32 $0x10880  }
0x126: {  	[tilespmem:s25], [sflag:$0x1] =	stream.indirect_vreg.gather [hbm4b:s3+s2], $0x80, v3, vm0, $0xb8;
	[tilespmem:$0x18080] =	vst v63  }
0x127: {  	s26 =	simm.s32 $0x11080  }
0x128: {  	[tilespmem:s26], [sflag:$0x1] =	stream.indirect_vreg.gather [hbm4b:s4+s2], $0x80, v3, vm0, $0xb8;
	[tilespmem:$0x18080] =	vst v63  }
0x129: {  	s29 =	simm.s32 $0x11880  }
0x12a: {  	[tilespmem:s29], [sflag:$0x1] =	stream.indirect_vreg.gather [hbm4b:s5+s2], $0x80, v3, vm0, $0xb8;
	[tilespmem:$0x18080] =	vst v63  }
0x12b: {  	v3 =	vld [tilespmem:$0x60];
	_ =	sdelay $0x4  }
0x12c: {  	v46 =	vshrl.u32 v3, $0x3  }
0x12d: {  	v4 =	vmul.u32 $0x30, v46  }
0x12e: {  	v3 =	vand.u32 $0x7, v3  }
0x12f: {  	v3 =	vor.u32 v3, v4  }
0x130: {  	v4 =	vperm.xlane v3, v0;
	_ =	sdelay $0x1  }
0x131: {  	v4 =	vadd.s32 v1, v4;
	_ =	sdelay $0x3  }
0x132: {  	s30 =	simm.s32 $0x12080;
	v3 =	vperm.xlane v3, v2  }
0x133: {  	[tilespmem:s30], [sflag:$0x1] =	stream.indirect_vreg.gather [hbm4b:s3+s2], $0x80, v4, vm0, $0xb8;
	[tilespmem:$0x18080] =	vst v63  }
0x134: {  	s25 =	simm.s32 $0x12880;
	v3 =	vadd.s32 v1, v3  }
0x135: {  	[tilespmem:s25], [sflag:$0x1] =	stream.indirect_vreg.gather [hbm4b:s4+s2], $0x80, v4, vm0, $0xb8;
	[tilespmem:$0x18080] =	vst v63  }
0x136: {  	s26 =	simm.s32 $0x13080  }
0x137: {  	[tilespmem:s26], [sflag:$0x1] =	stream.indirect_vreg.gather [hbm4b:s5+s2], $0x80, v4, vm0, $0xb8;
	[tilespmem:$0x18080] =	vst v63  }
0x138: {  	s29 =	simm.s32 $0x13880  }
0x139: {  	[tilespmem:s29], [sflag:$0x1] =	stream.indirect_vreg.gather [hbm4b:s3+s2], $0x80, v3, vm0, $0xb8;
	[tilespmem:$0x18080] =	vst v63  }
0x13a: {  	s30 =	simm.s32 $0x14080  }
0x13b: {  	[tilespmem:s30], [sflag:$0x1] =	stream.indirect_vreg.gather [hbm4b:s4+s2], $0x80, v3, vm0, $0xb8;
	[tilespmem:$0x18080] =	vst v63  }
0x13c: {  	s31 =	simm.s32 $0x14880  }
0x13d: {  	[tilespmem:s31], [sflag:$0x1] =	stream.indirect_vreg.gather [hbm4b:s5+s2], $0x80, v3, vm0, $0xb8;
	[tilespmem:$0x18080] =	vst v63  }
0x13e: {  	v3 =	vld [tilespmem:$0x70];
	_ =	sdelay $0x4  }
0x13f: {  	v47 =	vshrl.u32 v3, $0x3  }
0x140: {  	v4 =	vmul.u32 $0x30, v47  }
0x141: {  	v3 =	vand.u32 $0x7, v3  }
0x142: {  	v3 =	vor.u32 v3, v4  }
0x143: {  	v4 =	vperm.xlane v3, v0;
	_ =	sdelay $0x1  }
0x144: {  	v4 =	vadd.s32 v1, v4;
	_ =	sdelay $0x3  }
0x145: {  	s31 =	simm.s32 $0x15080;
	v3 =	vperm.xlane v3, v2  }
0x146: {  	[tilespmem:s31], [sflag:$0x1] =	stream.indirect_vreg.gather [hbm4b:s3+s2], $0x80, v4, vm0, $0xb8;
	[tilespmem:$0x18080] =	vst v63  }
0x147: {  	s25 =	simm.s32 $0x15880;
	v3 =	vadd.s32 v1, v3  }
0x148: {  	[tilespmem:s25], [sflag:$0x1] =	stream.indirect_vreg.gather [hbm4b:s4+s2], $0x80, v4, vm0, $0xb8;
	[tilespmem:$0x18080] =	vst v63  }
0x149: {  	s26 =	simm.s32 $0x16080  }
0x14a: {  	[tilespmem:s26], [sflag:$0x1] =	stream.indirect_vreg.gather [hbm4b:s5+s2], $0x80, v4, vm0, $0xb8;
	[tilespmem:$0x18080] =	vst v63  }
0x14b: {  	s29 =	simm.s32 $0x16880  }
0x14c: {  	[tilespmem:s29], [sflag:$0x1] =	stream.indirect_vreg.gather [hbm4b:s3+s2], $0x80, v3, vm0, $0xb8;
	[tilespmem:$0x18080] =	vst v63  }
0x14d: {  	s30 =	simm.s32 $0x17080  }
0x14e: {  	[tilespmem:s30], [sflag:$0x1] =	stream.indirect_vreg.gather [hbm4b:s4+s2], $0x80, v3, vm0, $0xb8;
	[tilespmem:$0x18080] =	vst v63  }
0x14f: {  	s31 =	simm.s32 $0x17880  }
0x150: {  	[tilespmem:s31], [sflag:$0x1] =	stream.indirect_vreg.gather [hbm4b:s5+s2], $0x80, v3, vm0, $0xb8;
	[tilespmem:$0x18080] =	vst v63  }
0x151: {  	_ =	swait.ge [sflag:s1], $0x18000  }
0x152: {  	[sflag:s1] =	ssyncset.done $0x0  }
0x153: {  	s25 =	rddreg [dreg:$0x6];
	[sflag:s1] =	ssyncadd.s32 $0xFFFE8000  }
0x154: {  	[hbm4b:s25+s2] =	stream.linear.scatter [tilespmem:s28], [sflag:$0x2], $0x18000, $0x38;
	[tilespmem:$0x18080] =	vst v63  }
0x155: {  	_ =	swait.ge [sflag:s7], $0x18000  }
0x156: {  	[sflag:s7] =	ssyncset.done $0x0  }
0x157: {  	s26 =	rddreg [dreg:$0x7];
	[sflag:s7] =	ssyncadd.s32 $0xFFFE8000  }
0x158: {  	[tilespmem:s2], [sflag:$0x2] =	stream.linear.gather [hbm4b:s26+s2], $0x80, $0x38;
	[tilespmem:$0x18080] =	vst v63  }
0x159: {  	_ =	swait.ge [sflag:s7], $0x80  }
0x15a: {  	[sflag:s7] =	ssyncset.done $0x0  }
0x15b: {  	[sflag:s7] =	ssyncadd.s32 $0xFFFFFF80  }
0x15c: {  	v3 =	vld [tilespmem:$0x0];
	_ =	sdelay $0x4  }
0x15d: {  	v48 =	vshrl.u32 v3, $0x3  }
0x15e: {  	v4 =	vmul.u32 $0x30, v48  }
0x15f: {  	v3 =	vand.u32 $0x7, v3  }
0x160: {  	v3 =	vor.u32 v3, v4  }
0x161: {  	v4 =	vperm.xlane v3, v0;
	_ =	sdelay $0x1  }
0x162: {  	v4 =	vadd.s32 v1, v4;
	_ =	sdelay $0x3  }
0x163: {  	v3 =	vperm.xlane v3, v2  }
0x164: {  	[tilespmem:s28], [sflag:$0x1] =	stream.indirect_vreg.gather [hbm4b:s3+s2], $0x80, v4, vm0, $0xb8;
	[tilespmem:$0x18080] =	vst v63  }
0x165: {  	v3 =	vadd.s32 v1, v3  }
0x166: {  	[tilespmem:s0], [sflag:$0x1] =	stream.indirect_vreg.gather [hbm4b:s4+s2], $0x80, v4, vm0, $0xb8;
	[tilespmem:$0x18080] =	vst v63  }
0x167: {  	_ = 	snop  }
0x168: {  	[tilespmem:s8], [sflag:$0x1] =	stream.indirect_vreg.gather [hbm4b:s5+s2], $0x80, v4, vm0, $0xb8;
	[tilespmem:$0x18080] =	vst v63  }
0x169: {  	_ = 	snop  }
0x16a: {  	[tilespmem:s10], [sflag:$0x1] =	stream.indirect_vreg.gather [hbm4b:s3+s2], $0x80, v3, vm0, $0xb8;
	[tilespmem:$0x18080] =	vst v63  }
0x16b: {  	_ = 	snop  }
0x16c: {  	[tilespmem:s11], [sflag:$0x1] =	stream.indirect_vreg.gather [hbm4b:s4+s2], $0x80, v3, vm0, $0xb8;
	[tilespmem:$0x18080] =	vst v63  }
0x16d: {  	s29 =	simm.s32 $0x2880  }
0x16e: {  	[tilespmem:s29], [sflag:$0x1] =	stream.indirect_vreg.gather [hbm4b:s5+s2], $0x80, v3, vm0, $0xb8;
	[tilespmem:$0x18080] =	vst v63  }
0x16f: {  	v3 =	vld [tilespmem:$0x10];
	_ =	sdelay $0x4  }
0x170: {  	v49 =	vshrl.u32 v3, $0x3  }
0x171: {  	v4 =	vmul.u32 $0x30, v49  }
0x172: {  	v3 =	vand.u32 $0x7, v3  }
0x173: {  	v3 =	vor.u32 v3, v4  }
0x174: {  	v4 =	vperm.xlane v3, v0;
	_ =	sdelay $0x1  }
0x175: {  	v4 =	vadd.s32 v1, v4;
	_ =	sdelay $0x3  }
0x176: {  	s30 =	simm.s32 $0x3080;
	v3 =	vperm.xlane v3, v2  }
0x177: {  	[tilespmem:s30], [sflag:$0x1] =	stream.indirect_vreg.gather [hbm4b:s3+s2], $0x80, v4, vm0, $0xb8;
	[tilespmem:$0x18080] =	vst v63  }
0x178: {  	v3 =	vadd.s32 v1, v3  }
0x179: {  	[tilespmem:s12], [sflag:$0x1] =	stream.indirect_vreg.gather [hbm4b:s4+s2], $0x80, v4, vm0, $0xb8;
	[tilespmem:$0x18080] =	vst v63  }
0x17a: {  	_ = 	snop  }
0x17b: {  	[tilespmem:s13], [sflag:$0x1] =	stream.indirect_vreg.gather [hbm4b:s5+s2], $0x80, v4, vm0, $0xb8;
	[tilespmem:$0x18080] =	vst v63  }
0x17c: {  	_ = 	snop  }
0x17d: {  	[tilespmem:s14], [sflag:$0x1] =	stream.indirect_vreg.gather [hbm4b:s3+s2], $0x80, v3, vm0, $0xb8;
	[tilespmem:$0x18080] =	vst v63  }
0x17e: {  	_ = 	snop  }
0x17f: {  	[tilespmem:s15], [sflag:$0x1] =	stream.indirect_vreg.gather [hbm4b:s4+s2], $0x80, v3, vm0, $0xb8;
	[tilespmem:$0x18080] =	vst v63  }
0x180: {  	s31 =	simm.s32 $0x5880  }
0x181: {  	[tilespmem:s31], [sflag:$0x1] =	stream.indirect_vreg.gather [hbm4b:s5+s2], $0x80, v3, vm0, $0xb8;
	[tilespmem:$0x18080] =	vst v63  }
0x182: {  	v3 =	vld [tilespmem:$0x20];
	_ =	sdelay $0x4  }
0x183: {  	v50 =	vshrl.u32 v3, $0x3  }
0x184: {  	v4 =	vmul.u32 $0x30, v50  }
0x185: {  	v3 =	vand.u32 $0x7, v3  }
0x186: {  	v3 =	vor.u32 v3, v4  }
0x187: {  	v4 =	vperm.xlane v3, v0;
	_ =	sdelay $0x1  }
0x188: {  	v4 =	vadd.s32 v1, v4;
	_ =	sdelay $0x3  }
0x189: {  	s25 =	simm.s32 $0x6080;
	v3 =	vperm.xlane v3, v2  }
0x18a: {  	[tilespmem:s25], [sflag:$0x1] =	stream.indirect_vreg.gather [hbm4b:s3+s2], $0x80, v4, vm0, $0xb8;
	[tilespmem:$0x18080] =	vst v63  }
0x18b: {  	v3 =	vadd.s32 v1, v3  }
0x18c: {  	[tilespmem:s16], [sflag:$0x1] =	stream.indirect_vreg.gather [hbm4b:s4+s2], $0x80, v4, vm0, $0xb8;
	[tilespmem:$0x18080] =	vst v63  }
0x18d: {  	_ = 	snop  }
0x18e: {  	[tilespmem:s17], [sflag:$0x1] =	stream.indirect_vreg.gather [hbm4b:s5+s2], $0x80, v4, vm0, $0xb8;
	[tilespmem:$0x18080] =	vst v63  }
0x18f: {  	_ = 	snop  }
0x190: {  	[tilespmem:s18], [sflag:$0x1] =	stream.indirect_vreg.gather [hbm4b:s3+s2], $0x80, v3, vm0, $0xb8;
	[tilespmem:$0x18080] =	vst v63  }
0x191: {  	_ = 	snop  }
0x192: {  	[tilespmem:s19], [sflag:$0x1] =	stream.indirect_vreg.gather [hbm4b:s4+s2], $0x80, v3, vm0, $0xb8;
	[tilespmem:$0x18080] =	vst v63  }
0x193: {  	s26 =	simm.s32 $0x8880  }
0x194: {  	[tilespmem:s26], [sflag:$0x1] =	stream.indirect_vreg.gather [hbm4b:s5+s2], $0x80, v3, vm0, $0xb8;
	[tilespmem:$0x18080] =	vst v63  }
0x195: {  	v3 =	vld [tilespmem:$0x30];
	_ =	sdelay $0x4  }
0x196: {  	v51 =	vshrl.u32 v3, $0x3  }
0x197: {  	v4 =	vmul.u32 $0x30, v51  }
0x198: {  	v3 =	vand.u32 $0x7, v3  }
0x199: {  	v3 =	vor.u32 v3, v4  }
0x19a: {  	v4 =	vperm.xlane v3, v0;
	_ =	sdelay $0x1  }
0x19b: {  	v4 =	vadd.s32 v1, v4;
	_ =	sdelay $0x3  }
0x19c: {  	s29 =	simm.s32 $0x9080;
	v3 =	vperm.xlane v3, v2  }
0x19d: {  	[tilespmem:s29], [sflag:$0x1] =	stream.indirect_vreg.gather [hbm4b:s3+s2], $0x80, v4, vm0, $0xb8;
	[tilespmem:$0x18080] =	vst v63  }
0x19e: {  	v3 =	vadd.s32 v1, v3  }
0x19f: {  	[tilespmem:s20], [sflag:$0x1] =	stream.indirect_vreg.gather [hbm4b:s4+s2], $0x80, v4, vm0, $0xb8;
	[tilespmem:$0x18080] =	vst v63  }
0x1a0: {  	_ = 	snop  }
0x1a1: {  	[tilespmem:s21], [sflag:$0x1] =	stream.indirect_vreg.gather [hbm4b:s5+s2], $0x80, v4, vm0, $0xb8;
	[tilespmem:$0x18080] =	vst v63  }
0x1a2: {  	_ = 	snop  }
0x1a3: {  	[tilespmem:s22], [sflag:$0x1] =	stream.indirect_vreg.gather [hbm4b:s3+s2], $0x80, v3, vm0, $0xb8;
	[tilespmem:$0x18080] =	vst v63  }
0x1a4: {  	s30 =	simm.s32 $0xB080  }
0x1a5: {  	[tilespmem:s30], [sflag:$0x1] =	stream.indirect_vreg.gather [hbm4b:s4+s2], $0x80, v3, vm0, $0xb8;
	[tilespmem:$0x18080] =	vst v63  }
0x1a6: {  	s31 =	simm.s32 $0xB880  }
0x1a7: {  	[tilespmem:s31], [sflag:$0x1] =	stream.indirect_vreg.gather [hbm4b:s5+s2], $0x80, v3, vm0, $0xb8;
	[tilespmem:$0x18080] =	vst v63  }
0x1a8: {  	v3 =	vld [tilespmem:$0x40];
	_ =	sdelay $0x4  }
0x1a9: {  	v52 =	vshrl.u32 v3, $0x3  }
0x1aa: {  	v4 =	vmul.u32 $0x30, v52  }
0x1ab: {  	v3 =	vand.u32 $0x7, v3  }
0x1ac: {  	v3 =	vor.u32 v3, v4  }
0x1ad: {  	v4 =	vperm.xlane v3, v0;
	_ =	sdelay $0x1  }
0x1ae: {  	v4 =	vadd.s32 v1, v4;
	_ =	sdelay $0x3  }
0x1af: {  	s25 =	simm.s32 $0xC080;
	v3 =	vperm.xlane v3, v2  }
0x1b0: {  	[tilespmem:s25], [sflag:$0x1] =	stream.indirect_vreg.gather [hbm4b:s3+s2], $0x80, v4, vm0, $0xb8;
	[tilespmem:$0x18080] =	vst v63  }
0x1b1: {  	s23 =	simm.s32 $0xC880;
	v3 =	vadd.s32 v1, v3  }
0x1b2: {  	[tilespmem:s23], [sflag:$0x1] =	stream.indirect_vreg.gather [hbm4b:s4+s2], $0x80, v4, vm0, $0xb8;
	[tilespmem:$0x18080] =	vst v63  }
0x1b3: {  	s24 =	simm.s32 $0xD080  }
0x1b4: {  	[tilespmem:s24], [sflag:$0x1] =	stream.indirect_vreg.gather [hbm4b:s5+s2], $0x80, v4, vm0, $0xb8;
	[tilespmem:$0x18080] =	vst v63  }
0x1b5: {  	s26 =	simm.s32 $0xD880  }
0x1b6: {  	[tilespmem:s26], [sflag:$0x1] =	stream.indirect_vreg.gather [hbm4b:s3+s2], $0x80, v3, vm0, $0xb8;
	[tilespmem:$0x18080] =	vst v63  }
0x1b7: {  	s29 =	simm.s32 $0xE080  }
0x1b8: {  	[tilespmem:s29], [sflag:$0x1] =	stream.indirect_vreg.gather [hbm4b:s4+s2], $0x80, v3, vm0, $0xb8;
	[tilespmem:$0x18080] =	vst v63  }
0x1b9: {  	s30 =	simm.s32 $0xE880  }
0x1ba: {  	[tilespmem:s30], [sflag:$0x1] =	stream.indirect_vreg.gather [hbm4b:s5+s2], $0x80, v3, vm0, $0xb8;
	[tilespmem:$0x18080] =	vst v63  }
0x1bb: {  	v3 =	vld [tilespmem:$0x50];
	_ =	sdelay $0x4  }
0x1bc: {  	v53 =	vshrl.u32 v3, $0x3  }
0x1bd: {  	v4 =	vmul.u32 $0x30, v53  }
0x1be: {  	v3 =	vand.u32 $0x7, v3  }
0x1bf: {  	v3 =	vor.u32 v3, v4  }
0x1c0: {  	v4 =	vperm.xlane v3, v0;
	_ =	sdelay $0x1  }
0x1c1: {  	v4 =	vadd.s32 v1, v4;
	_ =	sdelay $0x3  }
0x1c2: {  	s31 =	simm.s32 $0xF080;
	v3 =	vperm.xlane v3, v2  }
0x1c3: {  	[tilespmem:s31], [sflag:$0x1] =	stream.indirect_vreg.gather [hbm4b:s3+s2], $0x80, v4, vm0, $0xb8;
	[tilespmem:$0x18080] =	vst v63  }
0x1c4: {  	s29 =	simm.s32 $0xF880;
	v3 =	vadd.s32 v1, v3  }
0x1c5: {  	[tilespmem:s29], [sflag:$0x1] =	stream.indirect_vreg.gather [hbm4b:s4+s2], $0x80, v4, vm0, $0xb8;
	[tilespmem:$0x18080] =	vst v63  }
0x1c6: {  	s30 =	simm.s32 $0x10080  }
0x1c7: {  	[tilespmem:s30], [sflag:$0x1] =	stream.indirect_vreg.gather [hbm4b:s5+s2], $0x80, v4, vm0, $0xb8;
	[tilespmem:$0x18080] =	vst v63  }
0x1c8: {  	s31 =	simm.s32 $0x10880  }
0x1c9: {  	[tilespmem:s31], [sflag:$0x1] =	stream.indirect_vreg.gather [hbm4b:s3+s2], $0x80, v3, vm0, $0xb8;
	[tilespmem:$0x18080] =	vst v63  }
0x1ca: {  	s9 =	simm.s32 $0x11080  }
0x1cb: {  	[tilespmem:s9], [sflag:$0x1] =	stream.indirect_vreg.gather [hbm4b:s4+s2], $0x80, v3, vm0, $0xb8;
	[tilespmem:$0x18080] =	vst v63  }
0x1cc: {  	s9 =	simm.s32 $0x11880  }
0x1cd: {  	[tilespmem:s9], [sflag:$0x1] =	stream.indirect_vreg.gather [hbm4b:s5+s2], $0x80, v3, vm0, $0xb8;
	[tilespmem:$0x18080] =	vst v63  }
0x1ce: {  	v3 =	vld [tilespmem:$0x60];
	_ =	sdelay $0x4  }
0x1cf: {  	v54 =	vshrl.u32 v3, $0x3  }
0x1d0: {  	v4 =	vmul.u32 $0x30, v54  }
0x1d1: {  	v3 =	vand.u32 $0x7, v3  }
0x1d2: {  	v3 =	vor.u32 v3, v4  }
0x1d3: {  	v4 =	vperm.xlane v3, v0;
	_ =	sdelay $0x1  }
0x1d4: {  	v4 =	vadd.s32 v1, v4;
	_ =	sdelay $0x3  }
0x1d5: {  	s9 =	simm.s32 $0x12080;
	v3 =	vperm.xlane v3, v2  }
0x1d6: {  	[tilespmem:s9], [sflag:$0x1] =	stream.indirect_vreg.gather [hbm4b:s3+s2], $0x80, v4, vm0, $0xb8;
	[tilespmem:$0x18080] =	vst v63  }
0x1d7: {  	v3 =	vadd.s32 v1, v3;
	s9 =	simm.s32 $0x12880  }
0x1d8: {  	[tilespmem:s9], [sflag:$0x1] =	stream.indirect_vreg.gather [hbm4b:s4+s2], $0x80, v4, vm0, $0xb8;
	[tilespmem:$0x18080] =	vst v63  }
0x1d9: {  	s9 =	simm.s32 $0x13080  }
0x1da: {  	[tilespmem:s9], [sflag:$0x1] =	stream.indirect_vreg.gather [hbm4b:s5+s2], $0x80, v4, vm0, $0xb8;
	[tilespmem:$0x18080] =	vst v63  }
0x1db: {  	s9 =	simm.s32 $0x13880  }
0x1dc: {  	[tilespmem:s9], [sflag:$0x1] =	stream.indirect_vreg.gather [hbm4b:s3+s2], $0x80, v3, vm0, $0xb8;
	[tilespmem:$0x18080] =	vst v63  }
0x1dd: {  	s9 =	simm.s32 $0x14080  }
0x1de: {  	[tilespmem:s9], [sflag:$0x1] =	stream.indirect_vreg.gather [hbm4b:s4+s2], $0x80, v3, vm0, $0xb8;
	[tilespmem:$0x18080] =	vst v63  }
0x1df: {  	s9 =	simm.s32 $0x14880  }
0x1e0: {  	[tilespmem:s9], [sflag:$0x1] =	stream.indirect_vreg.gather [hbm4b:s5+s2], $0x80, v3, vm0, $0xb8;
	[tilespmem:$0x18080] =	vst v63  }
0x1e1: {  	v3 =	vld [tilespmem:$0x70];
	_ =	sdelay $0x4  }
0x1e2: {  	v55 =	vshrl.u32 v3, $0x3  }
0x1e3: {  	v4 =	vmul.u32 $0x30, v55  }
0x1e4: {  	v3 =	vand.u32 $0x7, v3  }
0x1e5: {  	v3 =	vor.u32 v3, v4  }
0x1e6: {  	v4 =	vperm.xlane v3, v0;
	_ =	sdelay $0x1  }
0x1e7: {  	v4 =	vadd.s32 v1, v4;
	_ =	sdelay $0x3  }
0x1e8: {  	s9 =	simm.s32 $0x15080;
	v3 =	vperm.xlane v3, v2  }
0x1e9: {  	[tilespmem:s9], [sflag:$0x1] =	stream.indirect_vreg.gather [hbm4b:s3+s2], $0x80, v4, vm0, $0xb8;
	[tilespmem:$0x18080] =	vst v63  }
0x1ea: {  	v3 =	vadd.s32 v1, v3;
	s9 =	simm.s32 $0x15880  }
0x1eb: {  	[tilespmem:s9], [sflag:$0x1] =	stream.indirect_vreg.gather [hbm4b:s4+s2], $0x80, v4, vm0, $0xb8;
	[tilespmem:$0x18080] =	vst v63  }
0x1ec: {  	s9 =	simm.s32 $0x16080  }
0x1ed: {  	[tilespmem:s9], [sflag:$0x1] =	stream.indirect_vreg.gather [hbm4b:s5+s2], $0x80, v4, vm0, $0xb8;
	[tilespmem:$0x18080] =	vst v63  }
0x1ee: {  	s9 =	simm.s32 $0x16880  }
0x1ef: {  	[tilespmem:s9], [sflag:$0x1] =	stream.indirect_vreg.gather [hbm4b:s3+s2], $0x80, v3, vm0, $0xb8;
	[tilespmem:$0x18080] =	vst v63  }
0x1f0: {  	s9 =	simm.s32 $0x17080  }
0x1f1: {  	[tilespmem:s9], [sflag:$0x1] =	stream.indirect_vreg.gather [hbm4b:s4+s2], $0x80, v3, vm0, $0xb8;
	[tilespmem:$0x18080] =	vst v63  }
0x1f2: {  	s9 =	simm.s32 $0x17880  }
0x1f3: {  	[tilespmem:s9], [sflag:$0x1] =	stream.indirect_vreg.gather [hbm4b:s5+s2], $0x80, v3, vm0, $0xb8;
	[tilespmem:$0x18080] =	vst v63  }
0x1f4: {  	_ =	swait.ge [sflag:s1], $0x18000  }
0x1f5: {  	[sflag:s1] =	ssyncset.done $0x0  }
0x1f6: {  	s9 =	rddreg [dreg:$0x8];
	[sflag:s1] =	ssyncadd.s32 $0xFFFE8000  }
0x1f7: {  	[hbm4b:s9+s2] =	stream.linear.scatter [tilespmem:s28], [sflag:$0x2], $0x18000, $0x38;
	[tilespmem:$0x18080] =	vst v63  }
0x1f8: {  	_ =	swait.ge [sflag:s7], $0x18000  }
0x1f9: {  	[sflag:s7] =	ssyncset.done $0x0  }
0x1fa: {  	s9 =	rddreg [dreg:$0x9];
	[sflag:s7] =	ssyncadd.s32 $0xFFFE8000  }
0x1fb: {  	[tilespmem:s2], [sflag:$0x2] =	stream.linear.gather [hbm4b:s9+s2], $0x80, $0x38;
	[tilespmem:$0x18080] =	vst v63  }
0x1fc: {  	_ =	swait.ge [sflag:s7], $0x80  }
0x1fd: {  	[sflag:s7] =	ssyncset.done $0x0  }
0x1fe: {  	[sflag:s7] =	ssyncadd.s32 $0xFFFFFF80  }
0x1ff: {  	v3 =	vld [tilespmem:$0x0];
	_ =	sdelay $0x4  }
0x200: {  	v56 =	vshrl.u32 v3, $0x3  }
0x201: {  	v4 =	vmul.u32 $0x30, v56  }
0x202: {  	v3 =	vand.u32 $0x7, v3  }
0x203: {  	v3 =	vor.u32 v3, v4  }
0x204: {  	v4 =	vperm.xlane v3, v0;
	_ =	sdelay $0x1  }
0x205: {  	v4 =	vadd.s32 v1, v4;
	_ =	sdelay $0x3  }
0x206: {  	v3 =	vperm.xlane v3, v2  }
0x207: {  	[tilespmem:s28], [sflag:$0x1] =	stream.indirect_vreg.gather [hbm4b:s3+s2], $0x80, v4, vm0, $0xb8;
	[tilespmem:$0x18080] =	vst v63  }
0x208: {  	s0 =	simm.s32 $0x880;
	v3 =	vadd.s32 v1, v3  }
0x209: {  	[tilespmem:s0], [sflag:$0x1] =	stream.indirect_vreg.gather [hbm4b:s4+s2], $0x80, v4, vm0, $0xb8;
	[tilespmem:$0x18080] =	vst v63  }
0x20a: {  	s8 =	simm.s32 $0x1080  }
0x20b: {  	[tilespmem:s8], [sflag:$0x1] =	stream.indirect_vreg.gather [hbm4b:s5+s2], $0x80, v4, vm0, $0xb8;
	[tilespmem:$0x18080] =	vst v63  }
0x20c: {  	s10 =	simm.s32 $0x1880  }
0x20d: {  	[tilespmem:s10], [sflag:$0x1] =	stream.indirect_vreg.gather [hbm4b:s3+s2], $0x80, v3, vm0, $0xb8;
	[tilespmem:$0x18080] =	vst v63  }
0x20e: {  	s11 =	simm.s32 $0x2080  }
0x20f: {  	[tilespmem:s11], [sflag:$0x1] =	stream.indirect_vreg.gather [hbm4b:s4+s2], $0x80, v3, vm0, $0xb8;
	[tilespmem:$0x18080] =	vst v63  }
0x210: {  	s10 =	simm.s32 $0x2880  }
0x211: {  	[tilespmem:s10], [sflag:$0x1] =	stream.indirect_vreg.gather [hbm4b:s5+s2], $0x80, v3, vm0, $0xb8;
	[tilespmem:$0x18080] =	vst v63  }
0x212: {  	v3 =	vld [tilespmem:$0x10];
	_ =	sdelay $0x4  }
0x213: {  	v57 =	vshrl.u32 v3, $0x3  }
0x214: {  	v4 =	vmul.u32 $0x30, v57  }
0x215: {  	v3 =	vand.u32 $0x7, v3  }
0x216: {  	v3 =	vor.u32 v3, v4  }
0x217: {  	v4 =	vperm.xlane v3, v0;
	_ =	sdelay $0x1  }
0x218: {  	v4 =	vadd.s32 v1, v4;
	_ =	sdelay $0x3  }
0x219: {  	s11 =	simm.s32 $0x3080;
	v3 =	vperm.xlane v3, v2  }
0x21a: {  	[tilespmem:s11], [sflag:$0x1] =	stream.indirect_vreg.gather [hbm4b:s3+s2], $0x80, v4, vm0, $0xb8;
	[tilespmem:$0x18080] =	vst v63  }
0x21b: {  	s12 =	simm.s32 $0x3880;
	v3 =	vadd.s32 v1, v3  }
0x21c: {  	[tilespmem:s12], [sflag:$0x1] =	stream.indirect_vreg.gather [hbm4b:s4+s2], $0x80, v4, vm0, $0xb8;
	[tilespmem:$0x18080] =	vst v63  }
0x21d: {  	s13 =	simm.s32 $0x4080  }
0x21e: {  	[tilespmem:s13], [sflag:$0x1] =	stream.indirect_vreg.gather [hbm4b:s5+s2], $0x80, v4, vm0, $0xb8;
	[tilespmem:$0x18080] =	vst v63  }
0x21f: {  	s14 =	simm.s32 $0x4880  }
0x220: {  	[tilespmem:s14], [sflag:$0x1] =	stream.indirect_vreg.gather [hbm4b:s3+s2], $0x80, v3, vm0, $0xb8;
	[tilespmem:$0x18080] =	vst v63  }
0x221: {  	s15 =	simm.s32 $0x5080  }
0x222: {  	[tilespmem:s15], [sflag:$0x1] =	stream.indirect_vreg.gather [hbm4b:s4+s2], $0x80, v3, vm0, $0xb8;
	[tilespmem:$0x18080] =	vst v63  }
0x223: {  	s14 =	simm.s32 $0x5880  }
0x224: {  	[tilespmem:s14], [sflag:$0x1] =	stream.indirect_vreg.gather [hbm4b:s5+s2], $0x80, v3, vm0, $0xb8;
	[tilespmem:$0x18080] =	vst v63  }
0x225: {  	v3 =	vld [tilespmem:$0x20];
	_ =	sdelay $0x4  }
0x226: {  	v58 =	vshrl.u32 v3, $0x3  }
0x227: {  	v4 =	vmul.u32 $0x30, v58  }
0x228: {  	v3 =	vand.u32 $0x7, v3  }
0x229: {  	v3 =	vor.u32 v3, v4  }
0x22a: {  	v4 =	vperm.xlane v3, v0;
	_ =	sdelay $0x1  }
0x22b: {  	v4 =	vadd.s32 v1, v4;
	_ =	sdelay $0x3  }
0x22c: {  	s15 =	simm.s32 $0x6080;
	v3 =	vperm.xlane v3, v2  }
0x22d: {  	[tilespmem:s15], [sflag:$0x1] =	stream.indirect_vreg.gather [hbm4b:s3+s2], $0x80, v4, vm0, $0xb8;
	[tilespmem:$0x18080] =	vst v63  }
0x22e: {  	s16 =	simm.s32 $0x6880;
	v3 =	vadd.s32 v1, v3  }
0x22f: {  	[tilespmem:s16], [sflag:$0x1] =	stream.indirect_vreg.gather [hbm4b:s4+s2], $0x80, v4, vm0, $0xb8;
	[tilespmem:$0x18080] =	vst v63  }
0x230: {  	s17 =	simm.s32 $0x7080  }
0x231: {  	[tilespmem:s17], [sflag:$0x1] =	stream.indirect_vreg.gather [hbm4b:s5+s2], $0x80, v4, vm0, $0xb8;
	[tilespmem:$0x18080] =	vst v63  }
0x232: {  	s18 =	simm.s32 $0x7880  }
0x233: {  	[tilespmem:s18], [sflag:$0x1] =	stream.indirect_vreg.gather [hbm4b:s3+s2], $0x80, v3, vm0, $0xb8;
	[tilespmem:$0x18080] =	vst v63  }
0x234: {  	s19 =	simm.s32 $0x8080  }
0x235: {  	[tilespmem:s19], [sflag:$0x1] =	stream.indirect_vreg.gather [hbm4b:s4+s2], $0x80, v3, vm0, $0xb8;
	[tilespmem:$0x18080] =	vst v63  }
0x236: {  	s8 =	simm.s32 $0x8880  }
0x237: {  	[tilespmem:s8], [sflag:$0x1] =	stream.indirect_vreg.gather [hbm4b:s5+s2], $0x80, v3, vm0, $0xb8;
	[tilespmem:$0x18080] =	vst v63  }
0x238: {  	v3 =	vld [tilespmem:$0x30];
	_ =	sdelay $0x4  }
0x239: {  	v59 =	vshrl.u32 v3, $0x3  }
0x23a: {  	v4 =	vmul.u32 $0x30, v59  }
0x23b: {  	v3 =	vand.u32 $0x7, v3  }
0x23c: {  	v3 =	vor.u32 v3, v4  }
0x23d: {  	v4 =	vperm.xlane v3, v0;
	_ =	sdelay $0x1  }
0x23e: {  	v4 =	vadd.s32 v1, v4;
	_ =	sdelay $0x3  }
0x23f: {  	s9 =	simm.s32 $0x9080;
	v3 =	vperm.xlane v3, v2  }
0x240: {  	[tilespmem:s9], [sflag:$0x1] =	stream.indirect_vreg.gather [hbm4b:s3+s2], $0x80, v4, vm0, $0xb8;
	[tilespmem:$0x18080] =	vst v63  }
0x241: {  	s20 =	simm.s32 $0x9880;
	v3 =	vadd.s32 v1, v3  }
0x242: {  	[tilespmem:s20], [sflag:$0x1] =	stream.indirect_vreg.gather [hbm4b:s4+s2], $0x80, v4, vm0, $0xb8;
	[tilespmem:$0x18080] =	vst v63  }
0x243: {  	s21 =	simm.s32 $0xA080  }
0x244: {  	[tilespmem:s21], [sflag:$0x1] =	stream.indirect_vreg.gather [hbm4b:s5+s2], $0x80, v4, vm0, $0xb8;
	[tilespmem:$0x18080] =	vst v63  }
0x245: {  	s22 =	simm.s32 $0xA880  }
0x246: {  	[tilespmem:s22], [sflag:$0x1] =	stream.indirect_vreg.gather [hbm4b:s3+s2], $0x80, v3, vm0, $0xb8;
	[tilespmem:$0x18080] =	vst v63  }
0x247: {  	s10 =	simm.s32 $0xB080  }
0x248: {  	[tilespmem:s10], [sflag:$0x1] =	stream.indirect_vreg.gather [hbm4b:s4+s2], $0x80, v3, vm0, $0xb8;
	[tilespmem:$0x18080] =	vst v63  }
0x249: {  	s11 =	simm.s32 $0xB880  }
0x24a: {  	[tilespmem:s11], [sflag:$0x1] =	stream.indirect_vreg.gather [hbm4b:s5+s2], $0x80, v3, vm0, $0xb8;
	[tilespmem:$0x18080] =	vst v63  }
0x24b: {  	v3 =	vld [tilespmem:$0x40];
	_ =	sdelay $0x4  }
0x24c: {  	v60 =	vshrl.u32 v3, $0x3  }
0x24d: {  	v4 =	vmul.u32 $0x30, v60  }
0x24e: {  	v3 =	vand.u32 $0x7, v3  }
0x24f: {  	v3 =	vor.u32 v3, v4  }
0x250: {  	v4 =	vperm.xlane v3, v0;
	_ =	sdelay $0x1  }
0x251: {  	v4 =	vadd.s32 v1, v4;
	_ =	sdelay $0x3  }
0x252: {  	s12 =	simm.s32 $0xC080;
	v3 =	vperm.xlane v3, v2  }
0x253: {  	[tilespmem:s12], [sflag:$0x1] =	stream.indirect_vreg.gather [hbm4b:s3+s2], $0x80, v4, vm0, $0xb8;
	[tilespmem:$0x18080] =	vst v63  }
0x254: {  	s23 =	simm.s32 $0xC880;
	v3 =	vadd.s32 v1, v3  }
0x255: {  	[tilespmem:s23], [sflag:$0x1] =	stream.indirect_vreg.gather [hbm4b:s4+s2], $0x80, v4, vm0, $0xb8;
	[tilespmem:$0x18080] =	vst v63  }
0x256: {  	s24 =	simm.s32 $0xD080  }
0x257: {  	[tilespmem:s24], [sflag:$0x1] =	stream.indirect_vreg.gather [hbm4b:s5+s2], $0x80, v4, vm0, $0xb8;
	[tilespmem:$0x18080] =	vst v63  }
0x258: {  	s25 =	simm.s32 $0xD880  }
0x259: {  	[tilespmem:s25], [sflag:$0x1] =	stream.indirect_vreg.gather [hbm4b:s3+s2], $0x80, v3, vm0, $0xb8;
	[tilespmem:$0x18080] =	vst v63  }
0x25a: {  	s26 =	simm.s32 $0xE080  }
0x25b: {  	[tilespmem:s26], [sflag:$0x1] =	stream.indirect_vreg.gather [hbm4b:s4+s2], $0x80, v3, vm0, $0xb8;
	[tilespmem:$0x18080] =	vst v63  }
0x25c: {  	s13 =	simm.s32 $0xE880  }
0x25d: {  	[tilespmem:s13], [sflag:$0x1] =	stream.indirect_vreg.gather [hbm4b:s5+s2], $0x80, v3, vm0, $0xb8;
	[tilespmem:$0x18080] =	vst v63  }
0x25e: {  	v3 =	vld [tilespmem:$0x50];
	_ =	sdelay $0x4  }
0x25f: {  	v61 =	vshrl.u32 v3, $0x3  }
0x260: {  	v4 =	vmul.u32 $0x30, v61  }
0x261: {  	v3 =	vand.u32 $0x7, v3  }
0x262: {  	v3 =	vor.u32 v3, v4  }
0x263: {  	v4 =	vperm.xlane v3, v0;
	_ =	sdelay $0x1  }
0x264: {  	v4 =	vadd.s32 v1, v4;
	_ =	sdelay $0x3  }
0x265: {  	s14 =	simm.s32 $0xF080;
	v3 =	vperm.xlane v3, v2  }
0x266: {  	[tilespmem:s14], [sflag:$0x1] =	stream.indirect_vreg.gather [hbm4b:s3+s2], $0x80, v4, vm0, $0xb8;
	[tilespmem:$0x18080] =	vst v63  }
0x267: {  	s29 =	simm.s32 $0xF880;
	v3 =	vadd.s32 v1, v3  }
0x268: {  	[tilespmem:s29], [sflag:$0x1] =	stream.indirect_vreg.gather [hbm4b:s4+s2], $0x80, v4, vm0, $0xb8;
	[tilespmem:$0x18080] =	vst v63  }
0x269: {  	s30 =	simm.s32 $0x10080  }
0x26a: {  	[tilespmem:s30], [sflag:$0x1] =	stream.indirect_vreg.gather [hbm4b:s5+s2], $0x80, v4, vm0, $0xb8;
	[tilespmem:$0x18080] =	vst v63  }
0x26b: {  	s31 =	simm.s32 $0x10880  }
0x26c: {  	[tilespmem:s31], [sflag:$0x1] =	stream.indirect_vreg.gather [hbm4b:s3+s2], $0x80, v3, vm0, $0xb8;
	[tilespmem:$0x18080] =	vst v63  }
0x26d: {  	s15 =	simm.s32 $0x11080  }
0x26e: {  	[tilespmem:s15], [sflag:$0x1] =	stream.indirect_vreg.gather [hbm4b:s4+s2], $0x80, v3, vm0, $0xb8;
	[tilespmem:$0x18080] =	vst v63  }
0x26f: {  	s16 =	simm.s32 $0x11880  }
0x270: {  	[tilespmem:s16], [sflag:$0x1] =	stream.indirect_vreg.gather [hbm4b:s5+s2], $0x80, v3, vm0, $0xb8;
	[tilespmem:$0x18080] =	vst v63  }
0x271: {  	v3 =	vld [tilespmem:$0x60];
	_ =	sdelay $0x4  }
0x272: {  	v62 =	vshrl.u32 v3, $0x3  }
0x273: {  	v4 =	vmul.u32 $0x30, v62  }
0x274: {  	v3 =	vand.u32 $0x7, v3  }
0x275: {  	v3 =	vor.u32 v3, v4  }
0x276: {  	v4 =	vperm.xlane v3, v0;
	_ =	sdelay $0x1  }
0x277: {  	v4 =	vadd.s32 v1, v4;
	_ =	sdelay $0x3  }
0x278: {  	s17 =	simm.s32 $0x12080;
	v3 =	vperm.xlane v3, v2  }
0x279: {  	[tilespmem:s17], [sflag:$0x1] =	stream.indirect_vreg.gather [hbm4b:s3+s2], $0x80, v4, vm0, $0xb8;
	[tilespmem:$0x18080] =	vst v63  }
0x27a: {  	s18 =	simm.s32 $0x12880;
	v3 =	vadd.s32 v1, v3  }
0x27b: {  	[tilespmem:s18], [sflag:$0x1] =	stream.indirect_vreg.gather [hbm4b:s4+s2], $0x80, v4, vm0, $0xb8;
	[tilespmem:$0x18080] =	vst v63  }
0x27c: {  	s19 =	simm.s32 $0x13080  }
0x27d: {  	[tilespmem:s19], [sflag:$0x1] =	stream.indirect_vreg.gather [hbm4b:s5+s2], $0x80, v4, vm0, $0xb8;
	[tilespmem:$0x18080] =	vst v63  }
0x27e: {  	s20 =	simm.s32 $0x13880  }
0x27f: {  	[tilespmem:s20], [sflag:$0x1] =	stream.indirect_vreg.gather [hbm4b:s3+s2], $0x80, v3, vm0, $0xb8;
	[tilespmem:$0x18080] =	vst v63  }
0x280: {  	s21 =	simm.s32 $0x14080  }
0x281: {  	[tilespmem:s21], [sflag:$0x1] =	stream.indirect_vreg.gather [hbm4b:s4+s2], $0x80, v3, vm0, $0xb8;
	[tilespmem:$0x18080] =	vst v63  }
0x282: {  	s22 =	simm.s32 $0x14880  }
0x283: {  	[tilespmem:s22], [sflag:$0x1] =	stream.indirect_vreg.gather [hbm4b:s5+s2], $0x80, v3, vm0, $0xb8;
	[tilespmem:$0x18080] =	vst v63  }
0x284: {  	v3 =	vld [tilespmem:$0x70];
	_ =	sdelay $0x4  }
0x285: {  	v63 =	vshrl.u32 v3, $0x3  }
0x286: {  	v4 =	vmul.u32 $0x30, v63  }
0x287: {  	v3 =	vand.u32 $0x7, v3  }
0x288: {  	v3 =	vor.u32 v3, v4  }
0x289: {  	v4 =	vperm.xlane v3, v0;
	_ =	sdelay $0x1  }
0x28a: {  	v4 =	vadd.s32 v1, v4;
	_ =	sdelay $0x3  }
0x28b: {  	s23 =	simm.s32 $0x15080;
	v3 =	vperm.xlane v3, v2  }
0x28c: {  	[tilespmem:s23], [sflag:$0x1] =	stream.indirect_vreg.gather [hbm4b:s3+s2], $0x80, v4, vm0, $0xb8;
	[tilespmem:$0x18080] =	vst v63  }
0x28d: {  	s24 =	simm.s32 $0x15880;
	v3 =	vadd.s32 v1, v3  }
0x28e: {  	[tilespmem:s24], [sflag:$0x1] =	stream.indirect_vreg.gather [hbm4b:s4+s2], $0x80, v4, vm0, $0xb8;
	[tilespmem:$0x18080] =	vst v63  }
0x28f: {  	s25 =	simm.s32 $0x16080  }
0x290: {  	[tilespmem:s25], [sflag:$0x1] =	stream.indirect_vreg.gather [hbm4b:s5+s2], $0x80, v4, vm0, $0xb8;
	[tilespmem:$0x18080] =	vst v63  }
0x291: {  	s26 =	simm.s32 $0x16880  }
0x292: {  	[tilespmem:s26], [sflag:$0x1] =	stream.indirect_vreg.gather [hbm4b:s3+s2], $0x80, v3, vm0, $0xb8;
	[tilespmem:$0x18080] =	vst v63  }
0x293: {  	s29 =	simm.s32 $0x17080  }
0x294: {  	[tilespmem:s29], [sflag:$0x1] =	stream.indirect_vreg.gather [hbm4b:s4+s2], $0x80, v3, vm0, $0xb8;
	[tilespmem:$0x18080] =	vst v63  }
0x295: {  	s30 =	simm.s32 $0x17880  }
0x296: {  	[tilespmem:s30], [sflag:$0x1] =	stream.indirect_vreg.gather [hbm4b:s5+s2], $0x80, v3, vm0, $0xb8;
	[tilespmem:$0x18080] =	vst v63  }
0x297: {  	_ =	swait.ge [sflag:s1], $0x18000  }
0x298: {  	p0 =	sne.s32 s6, $0x1;
	[sflag:s1] =	ssyncset.done $0x0  }
.Ltmp0:
0x299: {  	s31 =	rddreg [dreg:$0xa];
	[sflag:s1] =	ssyncadd.s32 $0xFFFE8000;
	(pc) =	sbr.rel @p0 .LBB2_1-.Ltmp0, $4  }
0x29a: {  	[hbm4b:s31+s2] =	stream.linear.scatter [tilespmem:s28], [sflag:$0x2], $0x18000, $0x38;
	[tilespmem:$0x18080] =	vst v63  }
0x29b: {  	_ =	swait.ge [sflag:s7], $0x18000  }
0x29c: {  	[sflag:s7] =	ssyncset.done $0x0  }
0x29d: {  	s6 =	sadd.s32 $0xFFFFFFFF, s6;
	[sflag:s7] =	ssyncadd.s32 $0xFFFE8000  }
0x29e: {  	_ =	sfence.sel $0x180000  }
0x29f: {  	[bflag:$0x0] =	sbarrier.arrive $0xFFFF  }
0x2a0: {  	_ =	strace $0x9000004A  }
0x2a1: {  	s0 =	stileid.u32;
	[bflag:$0x2] =	sbarrier.arrive $0xFFFF  }
0x2a2: {  	p0 =	sne.s32 s0, $0x0;
	s0 =	rddreg [dreg:$0x2]  }
0x2a3: {  	s0 =	sadd.s32 @!p0 $0x100000, s0  }
0x2a4: {  	[sflag:s0] =	ssyncadd.tile.s32 @!p0 $0x1;
	_ =	shalt  }
.Lfunc_end2:
_tile_overlayer_lowered:
.L_overlay_start_2:
0x2a5: {  	(tag) =	ssettag $0x2  }
0x2a6: {  	s0 =	rddreg [dreg:$0x0];
	s2 =	stileid.u32  }
0x2a7: {  	s1 =	rddreg [dreg:$0x1];
	p0 =	sne.s32 s2, $0x0  }
0x2a8: {  	s3 =	rddreg [dreg:$0x2];
	[bflag:$0x3] =	sbarrier.arrive $0xFFFF;
	s2 =	simm.s32 @!p0 $0x1C02  }
0x2a9: {  	[timem:s3], [sflag:s2] =	dma.local @!p0 [hbm:s0], s1  }
0x2aa: {  	s0 =	simm.s32 @!p0 $0x2  }
0x2ab: {  	_ =	swait.ge @!p0 [sflag:s0], s1  }
0x2ac: {  	s1 =	ssub.s32 @!p0 $0x0, s1;
	[sflag:s0] =	ssyncset.done @!p0 $0x0  }
0x2ad: {  	[sflag:s0] =	ssyncadd.s32 @!p0 s1  }
0x2ae: {  	[bflag:$0x3] =	sbarrier.arrive $0xFFFF  }
0x2af: {  	_ =	shalt  }

</sc_bundles>
